<compile_context>
chip_gen: v7x
topology: tpu7x:2x2x1
jax: 0.10.2.dev20260603
libtpu: 0.0.44.dev20260713+nightly
codegen_flags: <defaults>
</compile_context>

<pallas_src>
import functools

import jax
import jax.numpy as jnp
import numpy as np
from jax.experimental import pallas as pl

_N = 4096


def _butterfly_indices(n):
    indices_in = [[0, 0, 1, 1]]
    indices_out = [[0, 1, 0, 1]]
    curr_n = 2
    while curr_n < n:
        for i in range(len(indices_in)):
            indices_in[i] = indices_in[i] + [p + curr_n for p in indices_in[i]]
            indices_out[i] = indices_out[i] + [p + curr_n for p in indices_out[i]]
        sublist_low = list(range(curr_n)) * 2
        sublist_high = list(range(curr_n, curr_n * 2)) * 2
        new_idx_in = sublist_low + sublist_high
        indices_in.append(new_idx_in)
        new_idx_out = list(range(curr_n * 2)) * 2
        indices_out.append(new_idx_out)
        indices_in.insert(0, list(new_idx_in))
        indices_out.insert(0, list(new_idx_out))
        curr_n *= 2
    return (np.array(indices_in, dtype=np.int64),
            np.array(indices_out, dtype=np.int64))


def _layer_structure(n):
    ii, io = _butterfly_indices(n)
    L, nnz = ii.shape
    strides = []
    pos_a = np.zeros((L, n), dtype=np.int32)
    pos_b = np.zeros((L, n), dtype=np.int32)
    for l in range(L):
        diag = ii[l] == io[l]
        pos_a[l, io[l, diag]] = np.nonzero(diag)[0]
        pos_b[l, io[l, ~diag]] = np.nonzero(~diag)[0]
        s = int(abs(ii[l, ~diag][0] - io[l, ~diag][0]))
        strides.append(s)
    return strides, pos_a, pos_b


_STRIDES, _POS_A, _POS_B = _layer_structure(_N)
_L = len(_STRIDES)
_FRONT = [l for l in range(_L) if _STRIDES[l] >= 128 and l < _L // 2]
_BACK = [l for l in range(_L) if _STRIDES[l] >= 128 and l > _L // 2]
_MID = [l for l in range(_L) if _STRIDES[l] < 128]


def _swap(x, s):
    n = x.shape[-1]
    parts = []
    for g in range(n // (2 * s)):
        parts.append(x[:, g * 2 * s + s:(g + 1) * 2 * s])
        parts.append(x[:, g * 2 * s:g * 2 * s + s])
    return jnp.concatenate(parts, axis=-1)


def _tile_body(x_ref, af_ref, bf_ref, ab_ref, bb_ref, m_ref, o_ref):
    x = x_ref[...]
    for j, l in enumerate(_FRONT):
        s = _STRIDES[l]
        x = af_ref[j][None, :] * x + bf_ref[j][None, :] * _swap(x, s)
    chunks = []
    for c in range(_N // 128):
        xc = x[:, c * 128:(c + 1) * 128]
        yc = jax.lax.dot_general(
            xc, m_ref[c],
            dimension_numbers=(((1,), (1,)), ((), ())),
            preferred_element_type=jnp.float32)
        chunks.append(yc)
    x = jnp.concatenate(chunks, axis=-1)
    for j, l in enumerate(_BACK):
        s = _STRIDES[l]
        x = ab_ref[j][None, :] * x + bb_ref[j][None, :] * _swap(x, s)
    o_ref[...] = x


@functools.partial(jax.jit, static_argnames=())
def kernel(x, values, idx_in, idx_out):
    del idx_in, idx_out
    batch, n = x.shape
    assert n == _N
    A = jnp.take_along_axis(values, jnp.asarray(_POS_A), axis=1)
    B = jnp.take_along_axis(values, jnp.asarray(_POS_B), axis=1)
    M = jnp.broadcast_to(jnp.eye(128, dtype=jnp.float32), (n // 128, 128, 128))
    for l in _MID:
        s = _STRIDES[l]
        a = A[l].reshape(n // 128, 128, 1)
        b = B[l].reshape(n // 128, 128, 1)
        Mp = M.reshape(n // 128, 128 // (2 * s), 2, s, 128)[:, :, ::-1]
        M = a * M + b * Mp.reshape(n // 128, 128, 128)

    af = A[jnp.asarray(_FRONT)]
    bf = B[jnp.asarray(_FRONT)]
    ab = A[jnp.asarray(_BACK)]
    bb = B[jnp.asarray(_BACK)]

    bt = 256
    if batch % bt:
        bt = batch
    nb = batch // bt
    nf = len(_FRONT)
    return pl.pallas_call(
        _tile_body,
        grid=(nb,),
        in_specs=[
            pl.BlockSpec((bt, n), lambda i: (i, 0)),
            pl.BlockSpec((nf, n), lambda i: (0, 0)),
            pl.BlockSpec((nf, n), lambda i: (0, 0)),
            pl.BlockSpec((nf, n), lambda i: (0, 0)),
            pl.BlockSpec((nf, n), lambda i: (0, 0)),
            pl.BlockSpec((n // 128, 128, 128), lambda i: (0, 0, 0)),
        ],
        out_specs=pl.BlockSpec((bt, n), lambda i: (i, 0)),
        out_shape=jax.ShapeDtypeStruct((batch, n), jnp.float32),
    )(x, af, bf, ab, bb, M)

# --- scband reference (transcript-rebuilt; emitter-appended) ---
"""Pipeline reference for scband-benes-75067438399652 (READ-ONLY COPY).

The authoritative reference and input builder live on the scoring server;
editing this copy changes nothing except your own understanding.
"""

import jax, jax.numpy as jnp
import numpy as np

N = 4096
FULL = True
BATCH = 4096

def _benes_indices(n, full=False):
    indices_in = [[0, 0, 1, 1]]
    indices_out = [[0, 1, 0, 1]]
    curr_n = 2
    while curr_n < n:
        for i in range(len(indices_in)):
            indices_in[i] = indices_in[i] + [p + curr_n for p in indices_in[i]]
            indices_out[i] = indices_out[i] + [p + curr_n for p in indices_out[i]]
        sublist_low = list(range(curr_n)) * 2
        sublist_high = list(range(curr_n, curr_n * 2)) * 2
        new_idx_in = sublist_low + sublist_high
        indices_in.append(new_idx_in)
        new_idx_out = list(range(curr_n * 2)) * 2
        indices_out.append(new_idx_out)
        if full:
            indices_in.insert(0, list(new_idx_in))
            indices_out.insert(0, list(new_idx_out))
        curr_n *= 2
    return np.array(indices_in, dtype=np.int64), np.array(indices_out, dtype=np.int64)

def setup_inputs(seed: int = 0) -> dict:
    key = jax.random.key(seed)
    idx_in_np, idx_out_np = _benes_indices(N, FULL)
    L, nnz = idx_in_np.shape
    k1, k2 = jax.random.split(key)
    x = jax.random.normal(k1, (BATCH, N), dtype=jnp.float32)
    # Sparse(n, n, idx_in, idx_out, init=4) -> v = randn(nnz) * (6 / sqrt(4))
    values = jax.random.normal(k2, (L, nnz), dtype=jnp.float32) * (6.0 / np.sqrt(4.0))
    return {
        "x": x,
        "values": values,
        "idx_in": jnp.asarray(idx_in_np),
        "idx_out": jnp.asarray(idx_out_np),
    }

def reference(x, values, idx_in, idx_out):
    # Each Sparse layer computes y = W @ x.T  (transposed back), where W is a
    # sparse [n, n] matrix with entries values[l, k] at (idx_out[l,k], idx_in[l,k]).
    # Equivalently: gather input features, scale by weight values, scatter-add to outputs.
    n = x.shape[1]
    L = values.shape[0]
    out = x
    for l in range(L):
        contrib = out[:, idx_in[l]] * values[l][None, :]  # [B, nnz]
        out = jax.ops.segment_sum(contrib.T, idx_out[l], num_segments=n).T  # [B, n]
    return out

if __name__ == "__main__":
    import jax
    _d = setup_inputs()
    print(jax.jit(kernel)(*tuple(_d.values())))

</pallas_src>

<mosaic_0001>
module attributes {stable_mosaic.version = 14 : i64} {
  func.func @_tile_body(%arg0: i32, %arg1: memref<256x4096xf32, #tpu.memory_space<vmem>>, %arg2: memref<5x4096xf32, #tpu.memory_space<vmem>>, %arg3: memref<5x4096xf32, #tpu.memory_space<vmem>>, %arg4: memref<5x4096xf32, #tpu.memory_space<vmem>>, %arg5: memref<5x4096xf32, #tpu.memory_space<vmem>>, %arg6: memref<32x128x128xf32, #tpu.memory_space<vmem>>, %arg7: memref<256x4096xf32, #tpu.memory_space<vmem>>) attributes {dimension_semantics = [#tpu.dimension_semantics<arbitrary>], iteration_bounds = array<i64: 16>, scalar_prefetch = 0 : i64, scratch_operands = 0 : i64, tpu.core_type = #tpu.core_type<tc>, window_params = [{transform_indices = @transform_0, window_bounds = array<i64: 256, 4096>}, {pipeline_mode = #tpu.pipeline_mode<synchronous>, transform_indices = @transform_1, window_bounds = array<i64: 5, 4096>}, {pipeline_mode = #tpu.pipeline_mode<synchronous>, transform_indices = @transform_2, window_bounds = array<i64: 5, 4096>}, {pipeline_mode = #tpu.pipeline_mode<synchronous>, transform_indices = @transform_3, window_bounds = array<i64: 5, 4096>}, {pipeline_mode = #tpu.pipeline_mode<synchronous>, transform_indices = @transform_4, window_bounds = array<i64: 5, 4096>}, {pipeline_mode = #tpu.pipeline_mode<synchronous>, transform_indices = @transform_5, window_bounds = array<i64: 32, 128, 128>}, {transform_indices = @transform_6, window_bounds = array<i64: 256, 4096>}]} {
    %get3A = arith.constant 0 : index
    %get3A_0 = arith.constant 0 : index
    %get3A_1 = vector.load %arg1[%get3A, %get3A_0] : memref<256x4096xf32, #tpu.memory_space<vmem>>, vector<256x4096xf32>
    %get3A_2 = arith.constant 0 : index
    %get3A_3 = arith.constant 0 : index
    %get3A_4 = vector.load %arg2[%get3A_2, %get3A_3] : memref<5x4096xf32, #tpu.memory_space<vmem>>, vector<1x4096xf32>
    %get3A_5 = vector.shape_cast %get3A_4 : vector<1x4096xf32> to vector<4096xf32>
    %broadcast_in_dim3A = vector.shape_cast %get3A_5 : vector<4096xf32> to vector<1x4096xf32>
    %mul3A = vector.broadcast %broadcast_in_dim3A : vector<1x4096xf32> to vector<256x4096xf32>
    %mul3A_6 = arith.mulf %mul3A, %get3A_1 : vector<256x4096xf32>
    %get3A_7 = arith.constant 0 : index
    %get3A_8 = arith.constant 0 : index
    %get3A_9 = vector.load %arg3[%get3A_7, %get3A_8] : memref<5x4096xf32, #tpu.memory_space<vmem>>, vector<1x4096xf32>
    %get3A_10 = vector.shape_cast %get3A_9 : vector<1x4096xf32> to vector<4096xf32>
    %broadcast_in_dim3A_11 = vector.shape_cast %get3A_10 : vector<4096xf32> to vector<1x4096xf32>
    %slice3A = vector.extract_strided_slice %get3A_1 {offsets = [0, 2048], sizes = [256, 2048], strides = [1, 1]} : vector<256x4096xf32> to vector<256x2048xf32>
    %slice3A_12 = vector.extract_strided_slice %get3A_1 {offsets = [0, 0], sizes = [256, 2048], strides = [1, 1]} : vector<256x4096xf32> to vector<256x2048xf32>
    %concatenate3A = tpu.concatenate %slice3A, %slice3A_12 in 1 : vector<256x2048xf32>, vector<256x2048xf32> -> vector<256x4096xf32>
    %mul3A_13 = vector.broadcast %broadcast_in_dim3A_11 : vector<1x4096xf32> to vector<256x4096xf32>
    %mul3A_14 = arith.mulf %mul3A_13, %concatenate3A : vector<256x4096xf32>
    %add3A = arith.addf %mul3A_6, %mul3A_14 : vector<256x4096xf32>
    %get3A_15 = arith.constant 1 : index
    %get3A_16 = arith.constant 0 : index
    %get3A_17 = vector.load %arg2[%get3A_15, %get3A_16] : memref<5x4096xf32, #tpu.memory_space<vmem>>, vector<1x4096xf32>
    %get3A_18 = vector.shape_cast %get3A_17 : vector<1x4096xf32> to vector<4096xf32>
    %broadcast_in_dim3A_19 = vector.shape_cast %get3A_18 : vector<4096xf32> to vector<1x4096xf32>
    %mul3A_20 = vector.broadcast %broadcast_in_dim3A_19 : vector<1x4096xf32> to vector<256x4096xf32>
    %mul3A_21 = arith.mulf %mul3A_20, %add3A : vector<256x4096xf32>
    %get3A_22 = arith.constant 1 : index
    %get3A_23 = arith.constant 0 : index
    %get3A_24 = vector.load %arg3[%get3A_22, %get3A_23] : memref<5x4096xf32, #tpu.memory_space<vmem>>, vector<1x4096xf32>
    %get3A_25 = vector.shape_cast %get3A_24 : vector<1x4096xf32> to vector<4096xf32>
    %broadcast_in_dim3A_26 = vector.shape_cast %get3A_25 : vector<4096xf32> to vector<1x4096xf32>
    %slice3A_27 = vector.extract_strided_slice %add3A {offsets = [0, 1024], sizes = [256, 1024], strides = [1, 1]} : vector<256x4096xf32> to vector<256x1024xf32>
    %slice3A_28 = vector.extract_strided_slice %add3A {offsets = [0, 0], sizes = [256, 1024], strides = [1, 1]} : vector<256x4096xf32> to vector<256x1024xf32>
    %slice3A_29 = vector.extract_strided_slice %add3A {offsets = [0, 3072], sizes = [256, 1024], strides = [1, 1]} : vector<256x4096xf32> to vector<256x1024xf32>
    %slice3A_30 = vector.extract_strided_slice %add3A {offsets = [0, 2048], sizes = [256, 1024], strides = [1, 1]} : vector<256x4096xf32> to vector<256x1024xf32>
    %concatenate3A_31 = tpu.concatenate %slice3A_27, %slice3A_28, %slice3A_29, %slice3A_30 in 1 : vector<256x1024xf32>, vector<256x1024xf32>, vector<256x1024xf32>, vector<256x1024xf32> -> vector<256x4096xf32>
    %mul3A_32 = vector.broadcast %broadcast_in_dim3A_26 : vector<1x4096xf32> to vector<256x4096xf32>
    %mul3A_33 = arith.mulf %mul3A_32, %concatenate3A_31 : vector<256x4096xf32>
    %add3A_34 = arith.addf %mul3A_21, %mul3A_33 : vector<256x4096xf32>
    %get3A_35 = arith.constant 2 : index
    %get3A_36 = arith.constant 0 : index
    %get3A_37 = vector.load %arg2[%get3A_35, %get3A_36] : memref<5x4096xf32, #tpu.memory_space<vmem>>, vector<1x4096xf32>
    %get3A_38 = vector.shape_cast %get3A_37 : vector<1x4096xf32> to vector<4096xf32>
    %broadcast_in_dim3A_39 = vector.shape_cast %get3A_38 : vector<4096xf32> to vector<1x4096xf32>
    %mul3A_40 = vector.broadcast %broadcast_in_dim3A_39 : vector<1x4096xf32> to vector<256x4096xf32>
    %mul3A_41 = arith.mulf %mul3A_40, %add3A_34 : vector<256x4096xf32>
    %get3A_42 = arith.constant 2 : index
    %get3A_43 = arith.constant 0 : index
    %get3A_44 = vector.load %arg3[%get3A_42, %get3A_43] : memref<5x4096xf32, #tpu.memory_space<vmem>>, vector<1x4096xf32>
    %get3A_45 = vector.shape_cast %get3A_44 : vector<1x4096xf32> to vector<4096xf32>
    %broadcast_in_dim3A_46 = vector.shape_cast %get3A_45 : vector<4096xf32> to vector<1x4096xf32>
    %slice3A_47 = vector.extract_strided_slice %add3A_34 {offsets = [0, 512], sizes = [256, 512], strides = [1, 1]} : vector<256x4096xf32> to vector<256x512xf32>
    %slice3A_48 = vector.extract_strided_slice %add3A_34 {offsets = [0, 0], sizes = [256, 512], strides = [1, 1]} : vector<256x4096xf32> to vector<256x512xf32>
    %slice3A_49 = vector.extract_strided_slice %add3A_34 {offsets = [0, 1536], sizes = [256, 512], strides = [1, 1]} : vector<256x4096xf32> to vector<256x512xf32>
    %slice3A_50 = vector.extract_strided_slice %add3A_34 {offsets = [0, 1024], sizes = [256, 512], strides = [1, 1]} : vector<256x4096xf32> to vector<256x512xf32>
    %slice3A_51 = vector.extract_strided_slice %add3A_34 {offsets = [0, 2560], sizes = [256, 512], strides = [1, 1]} : vector<256x4096xf32> to vector<256x512xf32>
    %slice3A_52 = vector.extract_strided_slice %add3A_34 {offsets = [0, 2048], sizes = [256, 512], strides = [1, 1]} : vector<256x4096xf32> to vector<256x512xf32>
    %slice3A_53 = vector.extract_strided_slice %add3A_34 {offsets = [0, 3584], sizes = [256, 512], strides = [1, 1]} : vector<256x4096xf32> to vector<256x512xf32>
    %slice3A_54 = vector.extract_strided_slice %add3A_34 {offsets = [0, 3072], sizes = [256, 512], strides = [1, 1]} : vector<256x4096xf32> to vector<256x512xf32>
    %concatenate3A_55 = tpu.concatenate %slice3A_47, %slice3A_48, %slice3A_49, %slice3A_50, %slice3A_51, %slice3A_52, %slice3A_53, %slice3A_54 in 1 : vector<256x512xf32>, vector<256x512xf32>, vector<256x512xf32>, vector<256x512xf32>, vector<256x512xf32>, vector<256x512xf32>, vector<256x512xf32>, vector<256x512xf32> -> vector<256x4096xf32>
    %mul3A_56 = vector.broadcast %broadcast_in_dim3A_46 : vector<1x4096xf32> to vector<256x4096xf32>
    %mul3A_57 = arith.mulf %mul3A_56, %concatenate3A_55 : vector<256x4096xf32>
    %add3A_58 = arith.addf %mul3A_41, %mul3A_57 : vector<256x4096xf32>
    %get3A_59 = arith.constant 3 : index
    %get3A_60 = arith.constant 0 : index
    %get3A_61 = vector.load %arg2[%get3A_59, %get3A_60] : memref<5x4096xf32, #tpu.memory_space<vmem>>, vector<1x4096xf32>
    %get3A_62 = vector.shape_cast %get3A_61 : vector<1x4096xf32> to vector<4096xf32>
    %broadcast_in_dim3A_63 = vector.shape_cast %get3A_62 : vector<4096xf32> to vector<1x4096xf32>
    %mul3A_64 = vector.broadcast %broadcast_in_dim3A_63 : vector<1x4096xf32> to vector<256x4096xf32>
    %mul3A_65 = arith.mulf %mul3A_64, %add3A_58 : vector<256x4096xf32>
    %get3A_66 = arith.constant 3 : index
    %get3A_67 = arith.constant 0 : index
    %get3A_68 = vector.load %arg3[%get3A_66, %get3A_67] : memref<5x4096xf32, #tpu.memory_space<vmem>>, vector<1x4096xf32>
    %get3A_69 = vector.shape_cast %get3A_68 : vector<1x4096xf32> to vector<4096xf32>
    %broadcast_in_dim3A_70 = vector.shape_cast %get3A_69 : vector<4096xf32> to vector<1x4096xf32>
    %slice3A_71 = vector.extract_strided_slice %add3A_58 {offsets = [0, 256], sizes = [256, 256], strides = [1, 1]} : vector<256x4096xf32> to vector<256x256xf32>
    %slice3A_72 = vector.extract_strided_slice %add3A_58 {offsets = [0, 0], sizes = [256, 256], strides = [1, 1]} : vector<256x4096xf32> to vector<256x256xf32>
    %slice3A_73 = vector.extract_strided_slice %add3A_58 {offsets = [0, 768], sizes = [256, 256], strides = [1, 1]} : vector<256x4096xf32> to vector<256x256xf32>
    %slice3A_74 = vector.extract_strided_slice %add3A_58 {offsets = [0, 512], sizes = [256, 256], strides = [1, 1]} : vector<256x4096xf32> to vector<256x256xf32>
    %slice3A_75 = vector.extract_strided_slice %add3A_58 {offsets = [0, 1280], sizes = [256, 256], strides = [1, 1]} : vector<256x4096xf32> to vector<256x256xf32>
    %slice3A_76 = vector.extract_strided_slice %add3A_58 {offsets = [0, 1024], sizes = [256, 256], strides = [1, 1]} : vector<256x4096xf32> to vector<256x256xf32>
    %slice3A_77 = vector.extract_strided_slice %add3A_58 {offsets = [0, 1792], sizes = [256, 256], strides = [1, 1]} : vector<256x4096xf32> to vector<256x256xf32>
    %slice3A_78 = vector.extract_strided_slice %add3A_58 {offsets = [0, 1536], sizes = [256, 256], strides = [1, 1]} : vector<256x4096xf32> to vector<256x256xf32>
    %slice3A_79 = vector.extract_strided_slice %add3A_58 {offsets = [0, 2304], sizes = [256, 256], strides = [1, 1]} : vector<256x4096xf32> to vector<256x256xf32>
    %slice3A_80 = vector.extract_strided_slice %add3A_58 {offsets = [0, 2048], sizes = [256, 256], strides = [1, 1]} : vector<256x4096xf32> to vector<256x256xf32>
    %slice3A_81 = vector.extract_strided_slice %add3A_58 {offsets = [0, 2816], sizes = [256, 256], strides = [1, 1]} : vector<256x4096xf32> to vector<256x256xf32>
    %slice3A_82 = vector.extract_strided_slice %add3A_58 {offsets = [0, 2560], sizes = [256, 256], strides = [1, 1]} : vector<256x4096xf32> to vector<256x256xf32>
    %slice3A_83 = vector.extract_strided_slice %add3A_58 {offsets = [0, 3328], sizes = [256, 256], strides = [1, 1]} : vector<256x4096xf32> to vector<256x256xf32>
    %slice3A_84 = vector.extract_strided_slice %add3A_58 {offsets = [0, 3072], sizes = [256, 256], strides = [1, 1]} : vector<256x4096xf32> to vector<256x256xf32>
    %slice3A_85 = vector.extract_strided_slice %add3A_58 {offsets = [0, 3840], sizes = [256, 256], strides = [1, 1]} : vector<256x4096xf32> to vector<256x256xf32>
    %slice3A_86 = vector.extract_strided_slice %add3A_58 {offsets = [0, 3584], sizes = [256, 256], strides = [1, 1]} : vector<256x4096xf32> to vector<256x256xf32>
    %concatenate3A_87 = tpu.concatenate %slice3A_71, %slice3A_72, %slice3A_73, %slice3A_74, %slice3A_75, %slice3A_76, %slice3A_77, %slice3A_78, %slice3A_79, %slice3A_80, %slice3A_81, %slice3A_82, %slice3A_83, %slice3A_84, %slice3A_85, %slice3A_86 in 1 : vector<256x256xf32>, vector<256x256xf32>, vector<256x256xf32>, vector<256x256xf32>, vector<256x256xf32>, vector<256x256xf32>, vector<256x256xf32>, vector<256x256xf32>, vector<256x256xf32>, vector<256x256xf32>, vector<256x256xf32>, vector<256x256xf32>, vector<256x256xf32>, vector<256x256xf32>, vector<256x256xf32>, vector<256x256xf32> -> vector<256x4096xf32>
    %mul3A_88 = vector.broadcast %broadcast_in_dim3A_70 : vector<1x4096xf32> to vector<256x4096xf32>
    %mul3A_89 = arith.mulf %mul3A_88, %concatenate3A_87 : vector<256x4096xf32>
    %add3A_90 = arith.addf %mul3A_65, %mul3A_89 : vector<256x4096xf32>
    %get3A_91 = arith.constant 4 : index
    %get3A_92 = arith.constant 0 : index
    %get3A_93 = vector.load %arg2[%get3A_91, %get3A_92] : memref<5x4096xf32, #tpu.memory_space<vmem>>, vector<1x4096xf32>
    %get3A_94 = vector.shape_cast %get3A_93 : vector<1x4096xf32> to vector<4096xf32>
    %broadcast_in_dim3A_95 = vector.shape_cast %get3A_94 : vector<4096xf32> to vector<1x4096xf32>
    %mul3A_96 = vector.broadcast %broadcast_in_dim3A_95 : vector<1x4096xf32> to vector<256x4096xf32>
    %mul3A_97 = arith.mulf %mul3A_96, %add3A_90 : vector<256x4096xf32>
    %get3A_98 = arith.constant 4 : index
    %get3A_99 = arith.constant 0 : index
    %get3A_100 = vector.load %arg3[%get3A_98, %get3A_99] : memref<5x4096xf32, #tpu.memory_space<vmem>>, vector<1x4096xf32>
    %get3A_101 = vector.shape_cast %get3A_100 : vector<1x4096xf32> to vector<4096xf32>
    %broadcast_in_dim3A_102 = vector.shape_cast %get3A_101 : vector<4096xf32> to vector<1x4096xf32>
    %slice3A_103 = vector.extract_strided_slice %add3A_90 {offsets = [0, 128], sizes = [256, 128], strides = [1, 1]} : vector<256x4096xf32> to vector<256x128xf32>
    %slice3A_104 = vector.extract_strided_slice %add3A_90 {offsets = [0, 0], sizes = [256, 128], strides = [1, 1]} : vector<256x4096xf32> to vector<256x128xf32>
    %slice3A_105 = vector.extract_strided_slice %add3A_90 {offsets = [0, 384], sizes = [256, 128], strides = [1, 1]} : vector<256x4096xf32> to vector<256x128xf32>
    %slice3A_106 = vector.extract_strided_slice %add3A_90 {offsets = [0, 256], sizes = [256, 128], strides = [1, 1]} : vector<256x4096xf32> to vector<256x128xf32>
    %slice3A_107 = vector.extract_strided_slice %add3A_90 {offsets = [0, 640], sizes = [256, 128], strides = [1, 1]} : vector<256x4096xf32> to vector<256x128xf32>
    %slice3A_108 = vector.extract_strided_slice %add3A_90 {offsets = [0, 512], sizes = [256, 128], strides = [1, 1]} : vector<256x4096xf32> to vector<256x128xf32>
    %slice3A_109 = vector.extract_strided_slice %add3A_90 {offsets = [0, 896], sizes = [256, 128], strides = [1, 1]} : vector<256x4096xf32> to vector<256x128xf32>
    %slice3A_110 = vector.extract_strided_slice %add3A_90 {offsets = [0, 768], sizes = [256, 128], strides = [1, 1]} : vector<256x4096xf32> to vector<256x128xf32>
    %slice3A_111 = vector.extract_strided_slice %add3A_90 {offsets = [0, 1152], sizes = [256, 128], strides = [1, 1]} : vector<256x4096xf32> to vector<256x128xf32>
    %slice3A_112 = vector.extract_strided_slice %add3A_90 {offsets = [0, 1024], sizes = [256, 128], strides = [1, 1]} : vector<256x4096xf32> to vector<256x128xf32>
    %slice3A_113 = vector.extract_strided_slice %add3A_90 {offsets = [0, 1408], sizes = [256, 128], strides = [1, 1]} : vector<256x4096xf32> to vector<256x128xf32>
    %slice3A_114 = vector.extract_strided_slice %add3A_90 {offsets = [0, 1280], sizes = [256, 128], strides = [1, 1]} : vector<256x4096xf32> to vector<256x128xf32>
    %slice3A_115 = vector.extract_strided_slice %add3A_90 {offsets = [0, 1664], sizes = [256, 128], strides = [1, 1]} : vector<256x4096xf32> to vector<256x128xf32>
    %slice3A_116 = vector.extract_strided_slice %add3A_90 {offsets = [0, 1536], sizes = [256, 128], strides = [1, 1]} : vector<256x4096xf32> to vector<256x128xf32>
    %slice3A_117 = vector.extract_strided_slice %add3A_90 {offsets = [0, 1920], sizes = [256, 128], strides = [1, 1]} : vector<256x4096xf32> to vector<256x128xf32>
    %slice3A_118 = vector.extract_strided_slice %add3A_90 {offsets = [0, 1792], sizes = [256, 128], strides = [1, 1]} : vector<256x4096xf32> to vector<256x128xf32>
    %slice3A_119 = vector.extract_strided_slice %add3A_90 {offsets = [0, 2176], sizes = [256, 128], strides = [1, 1]} : vector<256x4096xf32> to vector<256x128xf32>
    %slice3A_120 = vector.extract_strided_slice %add3A_90 {offsets = [0, 2048], sizes = [256, 128], strides = [1, 1]} : vector<256x4096xf32> to vector<256x128xf32>
    %slice3A_121 = vector.extract_strided_slice %add3A_90 {offsets = [0, 2432], sizes = [256, 128], strides = [1, 1]} : vector<256x4096xf32> to vector<256x128xf32>
    %slice3A_122 = vector.extract_strided_slice %add3A_90 {offsets = [0, 2304], sizes = [256, 128], strides = [1, 1]} : vector<256x4096xf32> to vector<256x128xf32>
    %slice3A_123 = vector.extract_strided_slice %add3A_90 {offsets = [0, 2688], sizes = [256, 128], strides = [1, 1]} : vector<256x4096xf32> to vector<256x128xf32>
    %slice3A_124 = vector.extract_strided_slice %add3A_90 {offsets = [0, 2560], sizes = [256, 128], strides = [1, 1]} : vector<256x4096xf32> to vector<256x128xf32>
    %slice3A_125 = vector.extract_strided_slice %add3A_90 {offsets = [0, 2944], sizes = [256, 128], strides = [1, 1]} : vector<256x4096xf32> to vector<256x128xf32>
    %slice3A_126 = vector.extract_strided_slice %add3A_90 {offsets = [0, 2816], sizes = [256, 128], strides = [1, 1]} : vector<256x4096xf32> to vector<256x128xf32>
    %slice3A_127 = vector.extract_strided_slice %add3A_90 {offsets = [0, 3200], sizes = [256, 128], strides = [1, 1]} : vector<256x4096xf32> to vector<256x128xf32>
    %slice3A_128 = vector.extract_strided_slice %add3A_90 {offsets = [0, 3072], sizes = [256, 128], strides = [1, 1]} : vector<256x4096xf32> to vector<256x128xf32>
    %slice3A_129 = vector.extract_strided_slice %add3A_90 {offsets = [0, 3456], sizes = [256, 128], strides = [1, 1]} : vector<256x4096xf32> to vector<256x128xf32>
    %slice3A_130 = vector.extract_strided_slice %add3A_90 {offsets = [0, 3328], sizes = [256, 128], strides = [1, 1]} : vector<256x4096xf32> to vector<256x128xf32>
    %slice3A_131 = vector.extract_strided_slice %add3A_90 {offsets = [0, 3712], sizes = [256, 128], strides = [1, 1]} : vector<256x4096xf32> to vector<256x128xf32>
    %slice3A_132 = vector.extract_strided_slice %add3A_90 {offsets = [0, 3584], sizes = [256, 128], strides = [1, 1]} : vector<256x4096xf32> to vector<256x128xf32>
    %slice3A_133 = vector.extract_strided_slice %add3A_90 {offsets = [0, 3968], sizes = [256, 128], strides = [1, 1]} : vector<256x4096xf32> to vector<256x128xf32>
    %slice3A_134 = vector.extract_strided_slice %add3A_90 {offsets = [0, 3840], sizes = [256, 128], strides = [1, 1]} : vector<256x4096xf32> to vector<256x128xf32>
    %concatenate3A_135 = tpu.concatenate %slice3A_103, %slice3A_104, %slice3A_105, %slice3A_106, %slice3A_107, %slice3A_108, %slice3A_109, %slice3A_110, %slice3A_111, %slice3A_112, %slice3A_113, %slice3A_114, %slice3A_115, %slice3A_116, %slice3A_117, %slice3A_118, %slice3A_119, %slice3A_120, %slice3A_121, %slice3A_122, %slice3A_123, %slice3A_124, %slice3A_125, %slice3A_126, %slice3A_127, %slice3A_128, %slice3A_129, %slice3A_130, %slice3A_131, %slice3A_132, %slice3A_133, %slice3A_134 in 1 : vector<256x128xf32>, vector<256x128xf32>, vector<256x128xf32>, vector<256x128xf32>, vector<256x128xf32>, vector<256x128xf32>, vector<256x128xf32>, vector<256x128xf32>, vector<256x128xf32>, vector<256x128xf32>, vector<256x128xf32>, vector<256x128xf32>, vector<256x128xf32>, vector<256x128xf32>, vector<256x128xf32>, vector<256x128xf32>, vector<256x128xf32>, vector<256x128xf32>, vector<256x128xf32>, vector<256x128xf32>, vector<256x128xf32>, vector<256x128xf32>, vector<256x128xf32>, vector<256x128xf32>, vector<256x128xf32>, vector<256x128xf32>, vector<256x128xf32>, vector<256x128xf32>, vector<256x128xf32>, vector<256x128xf32>, vector<256x128xf32>, vector<256x128xf32> -> vector<256x4096xf32>
    %mul3A_136 = vector.broadcast %broadcast_in_dim3A_102 : vector<1x4096xf32> to vector<256x4096xf32>
    %mul3A_137 = arith.mulf %mul3A_136, %concatenate3A_135 : vector<256x4096xf32>
    %add3A_138 = arith.addf %mul3A_97, %mul3A_137 : vector<256x4096xf32>
    %slice3A_139 = vector.extract_strided_slice %add3A_138 {offsets = [0, 0], sizes = [256, 128], strides = [1, 1]} : vector<256x4096xf32> to vector<256x128xf32>
    %get3A_140 = arith.constant 0 : index
    %get3A_141 = arith.constant 0 : index
    %get3A_142 = arith.constant 0 : index
    %get3A_143 = vector.load %arg6[%get3A_140, %get3A_141, %get3A_142] : memref<32x128x128xf32, #tpu.memory_space<vmem>>, vector<1x128x128xf32>
    %get3A_144 = vector.shape_cast %get3A_143 : vector<1x128x128xf32> to vector<128x128xf32>
    %dot_general3A = arith.constant dense<0.000000e+00> : vector<256x128xf32>
    %dot_general3A_145 = tpu.matmul %slice3A_139, %get3A_144, %dot_general3A {dimension_numbers = #tpu.dot_dimension_numbers<[1], [1], [0], [0], [0, 0, 1, 0], [], []>, transpose_lhs_hint = false} : vector<256x128xf32>, vector<128x128xf32>, vector<256x128xf32> -> vector<256x128xf32>
    %slice3A_146 = vector.extract_strided_slice %add3A_138 {offsets = [0, 128], sizes = [256, 128], strides = [1, 1]} : vector<256x4096xf32> to vector<256x128xf32>
    %get3A_147 = arith.constant 1 : index
    %get3A_148 = arith.constant 0 : index
    %get3A_149 = arith.constant 0 : index
    %get3A_150 = vector.load %arg6[%get3A_147, %get3A_148, %get3A_149] : memref<32x128x128xf32, #tpu.memory_space<vmem>>, vector<1x128x128xf32>
    %get3A_151 = vector.shape_cast %get3A_150 : vector<1x128x128xf32> to vector<128x128xf32>
    %dot_general3A_152 = arith.constant dense<0.000000e+00> : vector<256x128xf32>
    %dot_general3A_153 = tpu.matmul %slice3A_146, %get3A_151, %dot_general3A_152 {dimension_numbers = #tpu.dot_dimension_numbers<[1], [1], [0], [0], [0, 0, 1, 0], [], []>, transpose_lhs_hint = false} : vector<256x128xf32>, vector<128x128xf32>, vector<256x128xf32> -> vector<256x128xf32>
    %slice3A_154 = vector.extract_strided_slice %add3A_138 {offsets = [0, 256], sizes = [256, 128], strides = [1, 1]} : vector<256x4096xf32> to vector<256x128xf32>
    %get3A_155 = arith.constant 2 : index
    %get3A_156 = arith.constant 0 : index
    %get3A_157 = arith.constant 0 : index
    %get3A_158 = vector.load %arg6[%get3A_155, %get3A_156, %get3A_157] : memref<32x128x128xf32, #tpu.memory_space<vmem>>, vector<1x128x128xf32>
    %get3A_159 = vector.shape_cast %get3A_158 : vector<1x128x128xf32> to vector<128x128xf32>
    %dot_general3A_160 = arith.constant dense<0.000000e+00> : vector<256x128xf32>
    %dot_general3A_161 = tpu.matmul %slice3A_154, %get3A_159, %dot_general3A_160 {dimension_numbers = #tpu.dot_dimension_numbers<[1], [1], [0], [0], [0, 0, 1, 0], [], []>, transpose_lhs_hint = false} : vector<256x128xf32>, vector<128x128xf32>, vector<256x128xf32> -> vector<256x128xf32>
    %slice3A_162 = vector.extract_strided_slice %add3A_138 {offsets = [0, 384], sizes = [256, 128], strides = [1, 1]} : vector<256x4096xf32> to vector<256x128xf32>
    %get3A_163 = arith.constant 3 : index
    %get3A_164 = arith.constant 0 : index
    %get3A_165 = arith.constant 0 : index
    %get3A_166 = vector.load %arg6[%get3A_163, %get3A_164, %get3A_165] : memref<32x128x128xf32, #tpu.memory_space<vmem>>, vector<1x128x128xf32>
    %get3A_167 = vector.shape_cast %get3A_166 : vector<1x128x128xf32> to vector<128x128xf32>
    %dot_general3A_168 = arith.constant dense<0.000000e+00> : vector<256x128xf32>
    %dot_general3A_169 = tpu.matmul %slice3A_162, %get3A_167, %dot_general3A_168 {dimension_numbers = #tpu.dot_dimension_numbers<[1], [1], [0], [0], [0, 0, 1, 0], [], []>, transpose_lhs_hint = false} : vector<256x128xf32>, vector<128x128xf32>, vector<256x128xf32> -> vector<256x128xf32>
    %slice3A_170 = vector.extract_strided_slice %add3A_138 {offsets = [0, 512], sizes = [256, 128], strides = [1, 1]} : vector<256x4096xf32> to vector<256x128xf32>
    %get3A_171 = arith.constant 4 : index
    %get3A_172 = arith.constant 0 : index
    %get3A_173 = arith.constant 0 : index
    %get3A_174 = vector.load %arg6[%get3A_171, %get3A_172, %get3A_173] : memref<32x128x128xf32, #tpu.memory_space<vmem>>, vector<1x128x128xf32>
    %get3A_175 = vector.shape_cast %get3A_174 : vector<1x128x128xf32> to vector<128x128xf32>
    %dot_general3A_176 = arith.constant dense<0.000000e+00> : vector<256x128xf32>
    %dot_general3A_177 = tpu.matmul %slice3A_170, %get3A_175, %dot_general3A_176 {dimension_numbers = #tpu.dot_dimension_numbers<[1], [1], [0], [0], [0, 0, 1, 0], [], []>, transpose_lhs_hint = false} : vector<256x128xf32>, vector<128x128xf32>, vector<256x128xf32> -> vector<256x128xf32>
    %slice3A_178 = vector.extract_strided_slice %add3A_138 {offsets = [0, 640], sizes = [256, 128], strides = [1, 1]} : vector<256x4096xf32> to vector<256x128xf32>
    %get3A_179 = arith.constant 5 : index
    %get3A_180 = arith.constant 0 : index
    %get3A_181 = arith.constant 0 : index
    %get3A_182 = vector.load %arg6[%get3A_179, %get3A_180, %get3A_181] : memref<32x128x128xf32, #tpu.memory_space<vmem>>, vector<1x128x128xf32>
    %get3A_183 = vector.shape_cast %get3A_182 : vector<1x128x128xf32> to vector<128x128xf32>
    %dot_general3A_184 = arith.constant dense<0.000000e+00> : vector<256x128xf32>
    %dot_general3A_185 = tpu.matmul %slice3A_178, %get3A_183, %dot_general3A_184 {dimension_numbers = #tpu.dot_dimension_numbers<[1], [1], [0], [0], [0, 0, 1, 0], [], []>, transpose_lhs_hint = false} : vector<256x128xf32>, vector<128x128xf32>, vector<256x128xf32> -> vector<256x128xf32>
    %slice3A_186 = vector.extract_strided_slice %add3A_138 {offsets = [0, 768], sizes = [256, 128], strides = [1, 1]} : vector<256x4096xf32> to vector<256x128xf32>
    %get3A_187 = arith.constant 6 : index
    %get3A_188 = arith.constant 0 : index
    %get3A_189 = arith.constant 0 : index
    %get3A_190 = vector.load %arg6[%get3A_187, %get3A_188, %get3A_189] : memref<32x128x128xf32, #tpu.memory_space<vmem>>, vector<1x128x128xf32>
    %get3A_191 = vector.shape_cast %get3A_190 : vector<1x128x128xf32> to vector<128x128xf32>
    %dot_general3A_192 = arith.constant dense<0.000000e+00> : vector<256x128xf32>
    %dot_general3A_193 = tpu.matmul %slice3A_186, %get3A_191, %dot_general3A_192 {dimension_numbers = #tpu.dot_dimension_numbers<[1], [1], [0], [0], [0, 0, 1, 0], [], []>, transpose_lhs_hint = false} : vector<256x128xf32>, vector<128x128xf32>, vector<256x128xf32> -> vector<256x128xf32>
    %slice3A_194 = vector.extract_strided_slice %add3A_138 {offsets = [0, 896], sizes = [256, 128], strides = [1, 1]} : vector<256x4096xf32> to vector<256x128xf32>
    %get3A_195 = arith.constant 7 : index
    %get3A_196 = arith.constant 0 : index
    %get3A_197 = arith.constant 0 : index
    %get3A_198 = vector.load %arg6[%get3A_195, %get3A_196, %get3A_197] : memref<32x128x128xf32, #tpu.memory_space<vmem>>, vector<1x128x128xf32>
    %get3A_199 = vector.shape_cast %get3A_198 : vector<1x128x128xf32> to vector<128x128xf32>
    %dot_general3A_200 = arith.constant dense<0.000000e+00> : vector<256x128xf32>
    %dot_general3A_201 = tpu.matmul %slice3A_194, %get3A_199, %dot_general3A_200 {dimension_numbers = #tpu.dot_dimension_numbers<[1], [1], [0], [0], [0, 0, 1, 0], [], []>, transpose_lhs_hint = false} : vector<256x128xf32>, vector<128x128xf32>, vector<256x128xf32> -> vector<256x128xf32>
    %slice3A_202 = vector.extract_strided_slice %add3A_138 {offsets = [0, 1024], sizes = [256, 128], strides = [1, 1]} : vector<256x4096xf32> to vector<256x128xf32>
    %get3A_203 = arith.constant 8 : index
    %get3A_204 = arith.constant 0 : index
    %get3A_205 = arith.constant 0 : index
    %get3A_206 = vector.load %arg6[%get3A_203, %get3A_204, %get3A_205] : memref<32x128x128xf32, #tpu.memory_space<vmem>>, vector<1x128x128xf32>
    %get3A_207 = vector.shape_cast %get3A_206 : vector<1x128x128xf32> to vector<128x128xf32>
    %dot_general3A_208 = arith.constant dense<0.000000e+00> : vector<256x128xf32>
    %dot_general3A_209 = tpu.matmul %slice3A_202, %get3A_207, %dot_general3A_208 {dimension_numbers = #tpu.dot_dimension_numbers<[1], [1], [0], [0], [0, 0, 1, 0], [], []>, transpose_lhs_hint = false} : vector<256x128xf32>, vector<128x128xf32>, vector<256x128xf32> -> vector<256x128xf32>
    %slice3A_210 = vector.extract_strided_slice %add3A_138 {offsets = [0, 1152], sizes = [256, 128], strides = [1, 1]} : vector<256x4096xf32> to vector<256x128xf32>
    %get3A_211 = arith.constant 9 : index
    %get3A_212 = arith.constant 0 : index
    %get3A_213 = arith.constant 0 : index
    %get3A_214 = vector.load %arg6[%get3A_211, %get3A_212, %get3A_213] : memref<32x128x128xf32, #tpu.memory_space<vmem>>, vector<1x128x128xf32>
    %get3A_215 = vector.shape_cast %get3A_214 : vector<1x128x128xf32> to vector<128x128xf32>
    %dot_general3A_216 = arith.constant dense<0.000000e+00> : vector<256x128xf32>
    %dot_general3A_217 = tpu.matmul %slice3A_210, %get3A_215, %dot_general3A_216 {dimension_numbers = #tpu.dot_dimension_numbers<[1], [1], [0], [0], [0, 0, 1, 0], [], []>, transpose_lhs_hint = false} : vector<256x128xf32>, vector<128x128xf32>, vector<256x128xf32> -> vector<256x128xf32>
    %slice3A_218 = vector.extract_strided_slice %add3A_138 {offsets = [0, 1280], sizes = [256, 128], strides = [1, 1]} : vector<256x4096xf32> to vector<256x128xf32>
    %get3A_219 = arith.constant 10 : index
    %get3A_220 = arith.constant 0 : index
    %get3A_221 = arith.constant 0 : index
    %get3A_222 = vector.load %arg6[%get3A_219, %get3A_220, %get3A_221] : memref<32x128x128xf32, #tpu.memory_space<vmem>>, vector<1x128x128xf32>
    %get3A_223 = vector.shape_cast %get3A_222 : vector<1x128x128xf32> to vector<128x128xf32>
    %dot_general3A_224 = arith.constant dense<0.000000e+00> : vector<256x128xf32>
    %dot_general3A_225 = tpu.matmul %slice3A_218, %get3A_223, %dot_general3A_224 {dimension_numbers = #tpu.dot_dimension_numbers<[1], [1], [0], [0], [0, 0, 1, 0], [], []>, transpose_lhs_hint = false} : vector<256x128xf32>, vector<128x128xf32>, vector<256x128xf32> -> vector<256x128xf32>
    %slice3A_226 = vector.extract_strided_slice %add3A_138 {offsets = [0, 1408], sizes = [256, 128], strides = [1, 1]} : vector<256x4096xf32> to vector<256x128xf32>
    %get3A_227 = arith.constant 11 : index
    %get3A_228 = arith.constant 0 : index
    %get3A_229 = arith.constant 0 : index
    %get3A_230 = vector.load %arg6[%get3A_227, %get3A_228, %get3A_229] : memref<32x128x128xf32, #tpu.memory_space<vmem>>, vector<1x128x128xf32>
    %get3A_231 = vector.shape_cast %get3A_230 : vector<1x128x128xf32> to vector<128x128xf32>
    %dot_general3A_232 = arith.constant dense<0.000000e+00> : vector<256x128xf32>
    %dot_general3A_233 = tpu.matmul %slice3A_226, %get3A_231, %dot_general3A_232 {dimension_numbers = #tpu.dot_dimension_numbers<[1], [1], [0], [0], [0, 0, 1, 0], [], []>, transpose_lhs_hint = false} : vector<256x128xf32>, vector<128x128xf32>, vector<256x128xf32> -> vector<256x128xf32>
    %slice3A_234 = vector.extract_strided_slice %add3A_138 {offsets = [0, 1536], sizes = [256, 128], strides = [1, 1]} : vector<256x4096xf32> to vector<256x128xf32>
    %get3A_235 = arith.constant 12 : index
    %get3A_236 = arith.constant 0 : index
    %get3A_237 = arith.constant 0 : index
    %get3A_238 = vector.load %arg6[%get3A_235, %get3A_236, %get3A_237] : memref<32x128x128xf32, #tpu.memory_space<vmem>>, vector<1x128x128xf32>
    %get3A_239 = vector.shape_cast %get3A_238 : vector<1x128x128xf32> to vector<128x128xf32>
    %dot_general3A_240 = arith.constant dense<0.000000e+00> : vector<256x128xf32>
    %dot_general3A_241 = tpu.matmul %slice3A_234, %get3A_239, %dot_general3A_240 {dimension_numbers = #tpu.dot_dimension_numbers<[1], [1], [0], [0], [0, 0, 1, 0], [], []>, transpose_lhs_hint = false} : vector<256x128xf32>, vector<128x128xf32>, vector<256x128xf32> -> vector<256x128xf32>
    %slice3A_242 = vector.extract_strided_slice %add3A_138 {offsets = [0, 1664], sizes = [256, 128], strides = [1, 1]} : vector<256x4096xf32> to vector<256x128xf32>
    %get3A_243 = arith.constant 13 : index
    %get3A_244 = arith.constant 0 : index
    %get3A_245 = arith.constant 0 : index
    %get3A_246 = vector.load %arg6[%get3A_243, %get3A_244, %get3A_245] : memref<32x128x128xf32, #tpu.memory_space<vmem>>, vector<1x128x128xf32>
    %get3A_247 = vector.shape_cast %get3A_246 : vector<1x128x128xf32> to vector<128x128xf32>
    %dot_general3A_248 = arith.constant dense<0.000000e+00> : vector<256x128xf32>
    %dot_general3A_249 = tpu.matmul %slice3A_242, %get3A_247, %dot_general3A_248 {dimension_numbers = #tpu.dot_dimension_numbers<[1], [1], [0], [0], [0, 0, 1, 0], [], []>, transpose_lhs_hint = false} : vector<256x128xf32>, vector<128x128xf32>, vector<256x128xf32> -> vector<256x128xf32>
    %slice3A_250 = vector.extract_strided_slice %add3A_138 {offsets = [0, 1792], sizes = [256, 128], strides = [1, 1]} : vector<256x4096xf32> to vector<256x128xf32>
    %get3A_251 = arith.constant 14 : index
    %get3A_252 = arith.constant 0 : index
    %get3A_253 = arith.constant 0 : index
    %get3A_254 = vector.load %arg6[%get3A_251, %get3A_252, %get3A_253] : memref<32x128x128xf32, #tpu.memory_space<vmem>>, vector<1x128x128xf32>
    %get3A_255 = vector.shape_cast %get3A_254 : vector<1x128x128xf32> to vector<128x128xf32>
    %dot_general3A_256 = arith.constant dense<0.000000e+00> : vector<256x128xf32>
    %dot_general3A_257 = tpu.matmul %slice3A_250, %get3A_255, %dot_general3A_256 {dimension_numbers = #tpu.dot_dimension_numbers<[1], [1], [0], [0], [0, 0, 1, 0], [], []>, transpose_lhs_hint = false} : vector<256x128xf32>, vector<128x128xf32>, vector<256x128xf32> -> vector<256x128xf32>
    %slice3A_258 = vector.extract_strided_slice %add3A_138 {offsets = [0, 1920], sizes = [256, 128], strides = [1, 1]} : vector<256x4096xf32> to vector<256x128xf32>
    %get3A_259 = arith.constant 15 : index
    %get3A_260 = arith.constant 0 : index
    %get3A_261 = arith.constant 0 : index
    %get3A_262 = vector.load %arg6[%get3A_259, %get3A_260, %get3A_261] : memref<32x128x128xf32, #tpu.memory_space<vmem>>, vector<1x128x128xf32>
    %get3A_263 = vector.shape_cast %get3A_262 : vector<1x128x128xf32> to vector<128x128xf32>
    %dot_general3A_264 = arith.constant dense<0.000000e+00> : vector<256x128xf32>
    %dot_general3A_265 = tpu.matmul %slice3A_258, %get3A_263, %dot_general3A_264 {dimension_numbers = #tpu.dot_dimension_numbers<[1], [1], [0], [0], [0, 0, 1, 0], [], []>, transpose_lhs_hint = false} : vector<256x128xf32>, vector<128x128xf32>, vector<256x128xf32> -> vector<256x128xf32>
    %slice3A_266 = vector.extract_strided_slice %add3A_138 {offsets = [0, 2048], sizes = [256, 128], strides = [1, 1]} : vector<256x4096xf32> to vector<256x128xf32>
    %get3A_267 = arith.constant 16 : index
    %get3A_268 = arith.constant 0 : index
    %get3A_269 = arith.constant 0 : index
    %get3A_270 = vector.load %arg6[%get3A_267, %get3A_268, %get3A_269] : memref<32x128x128xf32, #tpu.memory_space<vmem>>, vector<1x128x128xf32>
    %get3A_271 = vector.shape_cast %get3A_270 : vector<1x128x128xf32> to vector<128x128xf32>
    %dot_general3A_272 = arith.constant dense<0.000000e+00> : vector<256x128xf32>
    %dot_general3A_273 = tpu.matmul %slice3A_266, %get3A_271, %dot_general3A_272 {dimension_numbers = #tpu.dot_dimension_numbers<[1], [1], [0], [0], [0, 0, 1, 0], [], []>, transpose_lhs_hint = false} : vector<256x128xf32>, vector<128x128xf32>, vector<256x128xf32> -> vector<256x128xf32>
    %slice3A_274 = vector.extract_strided_slice %add3A_138 {offsets = [0, 2176], sizes = [256, 128], strides = [1, 1]} : vector<256x4096xf32> to vector<256x128xf32>
    %get3A_275 = arith.constant 17 : index
    %get3A_276 = arith.constant 0 : index
    %get3A_277 = arith.constant 0 : index
    %get3A_278 = vector.load %arg6[%get3A_275, %get3A_276, %get3A_277] : memref<32x128x128xf32, #tpu.memory_space<vmem>>, vector<1x128x128xf32>
    %get3A_279 = vector.shape_cast %get3A_278 : vector<1x128x128xf32> to vector<128x128xf32>
    %dot_general3A_280 = arith.constant dense<0.000000e+00> : vector<256x128xf32>
    %dot_general3A_281 = tpu.matmul %slice3A_274, %get3A_279, %dot_general3A_280 {dimension_numbers = #tpu.dot_dimension_numbers<[1], [1], [0], [0], [0, 0, 1, 0], [], []>, transpose_lhs_hint = false} : vector<256x128xf32>, vector<128x128xf32>, vector<256x128xf32> -> vector<256x128xf32>
    %slice3A_282 = vector.extract_strided_slice %add3A_138 {offsets = [0, 2304], sizes = [256, 128], strides = [1, 1]} : vector<256x4096xf32> to vector<256x128xf32>
    %get3A_283 = arith.constant 18 : index
    %get3A_284 = arith.constant 0 : index
    %get3A_285 = arith.constant 0 : index
    %get3A_286 = vector.load %arg6[%get3A_283, %get3A_284, %get3A_285] : memref<32x128x128xf32, #tpu.memory_space<vmem>>, vector<1x128x128xf32>
    %get3A_287 = vector.shape_cast %get3A_286 : vector<1x128x128xf32> to vector<128x128xf32>
    %dot_general3A_288 = arith.constant dense<0.000000e+00> : vector<256x128xf32>
    %dot_general3A_289 = tpu.matmul %slice3A_282, %get3A_287, %dot_general3A_288 {dimension_numbers = #tpu.dot_dimension_numbers<[1], [1], [0], [0], [0, 0, 1, 0], [], []>, transpose_lhs_hint = false} : vector<256x128xf32>, vector<128x128xf32>, vector<256x128xf32> -> vector<256x128xf32>
    %slice3A_290 = vector.extract_strided_slice %add3A_138 {offsets = [0, 2432], sizes = [256, 128], strides = [1, 1]} : vector<256x4096xf32> to vector<256x128xf32>
    %get3A_291 = arith.constant 19 : index
    %get3A_292 = arith.constant 0 : index
    %get3A_293 = arith.constant 0 : index
    %get3A_294 = vector.load %arg6[%get3A_291, %get3A_292, %get3A_293] : memref<32x128x128xf32, #tpu.memory_space<vmem>>, vector<1x128x128xf32>
    %get3A_295 = vector.shape_cast %get3A_294 : vector<1x128x128xf32> to vector<128x128xf32>
    %dot_general3A_296 = arith.constant dense<0.000000e+00> : vector<256x128xf32>
    %dot_general3A_297 = tpu.matmul %slice3A_290, %get3A_295, %dot_general3A_296 {dimension_numbers = #tpu.dot_dimension_numbers<[1], [1], [0], [0], [0, 0, 1, 0], [], []>, transpose_lhs_hint = false} : vector<256x128xf32>, vector<128x128xf32>, vector<256x128xf32> -> vector<256x128xf32>
    %slice3A_298 = vector.extract_strided_slice %add3A_138 {offsets = [0, 2560], sizes = [256, 128], strides = [1, 1]} : vector<256x4096xf32> to vector<256x128xf32>
    %get3A_299 = arith.constant 20 : index
    %get3A_300 = arith.constant 0 : index
    %get3A_301 = arith.constant 0 : index
    %get3A_302 = vector.load %arg6[%get3A_299, %get3A_300, %get3A_301] : memref<32x128x128xf32, #tpu.memory_space<vmem>>, vector<1x128x128xf32>
    %get3A_303 = vector.shape_cast %get3A_302 : vector<1x128x128xf32> to vector<128x128xf32>
    %dot_general3A_304 = arith.constant dense<0.000000e+00> : vector<256x128xf32>
    %dot_general3A_305 = tpu.matmul %slice3A_298, %get3A_303, %dot_general3A_304 {dimension_numbers = #tpu.dot_dimension_numbers<[1], [1], [0], [0], [0, 0, 1, 0], [], []>, transpose_lhs_hint = false} : vector<256x128xf32>, vector<128x128xf32>, vector<256x128xf32> -> vector<256x128xf32>
    %slice3A_306 = vector.extract_strided_slice %add3A_138 {offsets = [0, 2688], sizes = [256, 128], strides = [1, 1]} : vector<256x4096xf32> to vector<256x128xf32>
    %get3A_307 = arith.constant 21 : index
    %get3A_308 = arith.constant 0 : index
    %get3A_309 = arith.constant 0 : index
    %get3A_310 = vector.load %arg6[%get3A_307, %get3A_308, %get3A_309] : memref<32x128x128xf32, #tpu.memory_space<vmem>>, vector<1x128x128xf32>
    %get3A_311 = vector.shape_cast %get3A_310 : vector<1x128x128xf32> to vector<128x128xf32>
    %dot_general3A_312 = arith.constant dense<0.000000e+00> : vector<256x128xf32>
    %dot_general3A_313 = tpu.matmul %slice3A_306, %get3A_311, %dot_general3A_312 {dimension_numbers = #tpu.dot_dimension_numbers<[1], [1], [0], [0], [0, 0, 1, 0], [], []>, transpose_lhs_hint = false} : vector<256x128xf32>, vector<128x128xf32>, vector<256x128xf32> -> vector<256x128xf32>
    %slice3A_314 = vector.extract_strided_slice %add3A_138 {offsets = [0, 2816], sizes = [256, 128], strides = [1, 1]} : vector<256x4096xf32> to vector<256x128xf32>
    %get3A_315 = arith.constant 22 : index
    %get3A_316 = arith.constant 0 : index
    %get3A_317 = arith.constant 0 : index
    %get3A_318 = vector.load %arg6[%get3A_315, %get3A_316, %get3A_317] : memref<32x128x128xf32, #tpu.memory_space<vmem>>, vector<1x128x128xf32>
    %get3A_319 = vector.shape_cast %get3A_318 : vector<1x128x128xf32> to vector<128x128xf32>
    %dot_general3A_320 = arith.constant dense<0.000000e+00> : vector<256x128xf32>
    %dot_general3A_321 = tpu.matmul %slice3A_314, %get3A_319, %dot_general3A_320 {dimension_numbers = #tpu.dot_dimension_numbers<[1], [1], [0], [0], [0, 0, 1, 0], [], []>, transpose_lhs_hint = false} : vector<256x128xf32>, vector<128x128xf32>, vector<256x128xf32> -> vector<256x128xf32>
    %slice3A_322 = vector.extract_strided_slice %add3A_138 {offsets = [0, 2944], sizes = [256, 128], strides = [1, 1]} : vector<256x4096xf32> to vector<256x128xf32>
    %get3A_323 = arith.constant 23 : index
    %get3A_324 = arith.constant 0 : index
    %get3A_325 = arith.constant 0 : index
    %get3A_326 = vector.load %arg6[%get3A_323, %get3A_324, %get3A_325] : memref<32x128x128xf32, #tpu.memory_space<vmem>>, vector<1x128x128xf32>
    %get3A_327 = vector.shape_cast %get3A_326 : vector<1x128x128xf32> to vector<128x128xf32>
    %dot_general3A_328 = arith.constant dense<0.000000e+00> : vector<256x128xf32>
    %dot_general3A_329 = tpu.matmul %slice3A_322, %get3A_327, %dot_general3A_328 {dimension_numbers = #tpu.dot_dimension_numbers<[1], [1], [0], [0], [0, 0, 1, 0], [], []>, transpose_lhs_hint = false} : vector<256x128xf32>, vector<128x128xf32>, vector<256x128xf32> -> vector<256x128xf32>
    %slice3A_330 = vector.extract_strided_slice %add3A_138 {offsets = [0, 3072], sizes = [256, 128], strides = [1, 1]} : vector<256x4096xf32> to vector<256x128xf32>
    %get3A_331 = arith.constant 24 : index
    %get3A_332 = arith.constant 0 : index
    %get3A_333 = arith.constant 0 : index
    %get3A_334 = vector.load %arg6[%get3A_331, %get3A_332, %get3A_333] : memref<32x128x128xf32, #tpu.memory_space<vmem>>, vector<1x128x128xf32>
    %get3A_335 = vector.shape_cast %get3A_334 : vector<1x128x128xf32> to vector<128x128xf32>
    %dot_general3A_336 = arith.constant dense<0.000000e+00> : vector<256x128xf32>
    %dot_general3A_337 = tpu.matmul %slice3A_330, %get3A_335, %dot_general3A_336 {dimension_numbers = #tpu.dot_dimension_numbers<[1], [1], [0], [0], [0, 0, 1, 0], [], []>, transpose_lhs_hint = false} : vector<256x128xf32>, vector<128x128xf32>, vector<256x128xf32> -> vector<256x128xf32>
    %slice3A_338 = vector.extract_strided_slice %add3A_138 {offsets = [0, 3200], sizes = [256, 128], strides = [1, 1]} : vector<256x4096xf32> to vector<256x128xf32>
    %get3A_339 = arith.constant 25 : index
    %get3A_340 = arith.constant 0 : index
    %get3A_341 = arith.constant 0 : index
    %get3A_342 = vector.load %arg6[%get3A_339, %get3A_340, %get3A_341] : memref<32x128x128xf32, #tpu.memory_space<vmem>>, vector<1x128x128xf32>
    %get3A_343 = vector.shape_cast %get3A_342 : vector<1x128x128xf32> to vector<128x128xf32>
    %dot_general3A_344 = arith.constant dense<0.000000e+00> : vector<256x128xf32>
    %dot_general3A_345 = tpu.matmul %slice3A_338, %get3A_343, %dot_general3A_344 {dimension_numbers = #tpu.dot_dimension_numbers<[1], [1], [0], [0], [0, 0, 1, 0], [], []>, transpose_lhs_hint = false} : vector<256x128xf32>, vector<128x128xf32>, vector<256x128xf32> -> vector<256x128xf32>
    %slice3A_346 = vector.extract_strided_slice %add3A_138 {offsets = [0, 3328], sizes = [256, 128], strides = [1, 1]} : vector<256x4096xf32> to vector<256x128xf32>
    %get3A_347 = arith.constant 26 : index
    %get3A_348 = arith.constant 0 : index
    %get3A_349 = arith.constant 0 : index
    %get3A_350 = vector.load %arg6[%get3A_347, %get3A_348, %get3A_349] : memref<32x128x128xf32, #tpu.memory_space<vmem>>, vector<1x128x128xf32>
    %get3A_351 = vector.shape_cast %get3A_350 : vector<1x128x128xf32> to vector<128x128xf32>
    %dot_general3A_352 = arith.constant dense<0.000000e+00> : vector<256x128xf32>
    %dot_general3A_353 = tpu.matmul %slice3A_346, %get3A_351, %dot_general3A_352 {dimension_numbers = #tpu.dot_dimension_numbers<[1], [1], [0], [0], [0, 0, 1, 0], [], []>, transpose_lhs_hint = false} : vector<256x128xf32>, vector<128x128xf32>, vector<256x128xf32> -> vector<256x128xf32>
    %slice3A_354 = vector.extract_strided_slice %add3A_138 {offsets = [0, 3456], sizes = [256, 128], strides = [1, 1]} : vector<256x4096xf32> to vector<256x128xf32>
    %get3A_355 = arith.constant 27 : index
    %get3A_356 = arith.constant 0 : index
    %get3A_357 = arith.constant 0 : index
    %get3A_358 = vector.load %arg6[%get3A_355, %get3A_356, %get3A_357] : memref<32x128x128xf32, #tpu.memory_space<vmem>>, vector<1x128x128xf32>
    %get3A_359 = vector.shape_cast %get3A_358 : vector<1x128x128xf32> to vector<128x128xf32>
    %dot_general3A_360 = arith.constant dense<0.000000e+00> : vector<256x128xf32>
    %dot_general3A_361 = tpu.matmul %slice3A_354, %get3A_359, %dot_general3A_360 {dimension_numbers = #tpu.dot_dimension_numbers<[1], [1], [0], [0], [0, 0, 1, 0], [], []>, transpose_lhs_hint = false} : vector<256x128xf32>, vector<128x128xf32>, vector<256x128xf32> -> vector<256x128xf32>
    %slice3A_362 = vector.extract_strided_slice %add3A_138 {offsets = [0, 3584], sizes = [256, 128], strides = [1, 1]} : vector<256x4096xf32> to vector<256x128xf32>
    %get3A_363 = arith.constant 28 : index
    %get3A_364 = arith.constant 0 : index
    %get3A_365 = arith.constant 0 : index
    %get3A_366 = vector.load %arg6[%get3A_363, %get3A_364, %get3A_365] : memref<32x128x128xf32, #tpu.memory_space<vmem>>, vector<1x128x128xf32>
    %get3A_367 = vector.shape_cast %get3A_366 : vector<1x128x128xf32> to vector<128x128xf32>
    %dot_general3A_368 = arith.constant dense<0.000000e+00> : vector<256x128xf32>
    %dot_general3A_369 = tpu.matmul %slice3A_362, %get3A_367, %dot_general3A_368 {dimension_numbers = #tpu.dot_dimension_numbers<[1], [1], [0], [0], [0, 0, 1, 0], [], []>, transpose_lhs_hint = false} : vector<256x128xf32>, vector<128x128xf32>, vector<256x128xf32> -> vector<256x128xf32>
    %slice3A_370 = vector.extract_strided_slice %add3A_138 {offsets = [0, 3712], sizes = [256, 128], strides = [1, 1]} : vector<256x4096xf32> to vector<256x128xf32>
    %get3A_371 = arith.constant 29 : index
    %get3A_372 = arith.constant 0 : index
    %get3A_373 = arith.constant 0 : index
    %get3A_374 = vector.load %arg6[%get3A_371, %get3A_372, %get3A_373] : memref<32x128x128xf32, #tpu.memory_space<vmem>>, vector<1x128x128xf32>
    %get3A_375 = vector.shape_cast %get3A_374 : vector<1x128x128xf32> to vector<128x128xf32>
    %dot_general3A_376 = arith.constant dense<0.000000e+00> : vector<256x128xf32>
    %dot_general3A_377 = tpu.matmul %slice3A_370, %get3A_375, %dot_general3A_376 {dimension_numbers = #tpu.dot_dimension_numbers<[1], [1], [0], [0], [0, 0, 1, 0], [], []>, transpose_lhs_hint = false} : vector<256x128xf32>, vector<128x128xf32>, vector<256x128xf32> -> vector<256x128xf32>
    %slice3A_378 = vector.extract_strided_slice %add3A_138 {offsets = [0, 3840], sizes = [256, 128], strides = [1, 1]} : vector<256x4096xf32> to vector<256x128xf32>
    %get3A_379 = arith.constant 30 : index
    %get3A_380 = arith.constant 0 : index
    %get3A_381 = arith.constant 0 : index
    %get3A_382 = vector.load %arg6[%get3A_379, %get3A_380, %get3A_381] : memref<32x128x128xf32, #tpu.memory_space<vmem>>, vector<1x128x128xf32>
    %get3A_383 = vector.shape_cast %get3A_382 : vector<1x128x128xf32> to vector<128x128xf32>
    %dot_general3A_384 = arith.constant dense<0.000000e+00> : vector<256x128xf32>
    %dot_general3A_385 = tpu.matmul %slice3A_378, %get3A_383, %dot_general3A_384 {dimension_numbers = #tpu.dot_dimension_numbers<[1], [1], [0], [0], [0, 0, 1, 0], [], []>, transpose_lhs_hint = false} : vector<256x128xf32>, vector<128x128xf32>, vector<256x128xf32> -> vector<256x128xf32>
    %slice3A_386 = vector.extract_strided_slice %add3A_138 {offsets = [0, 3968], sizes = [256, 128], strides = [1, 1]} : vector<256x4096xf32> to vector<256x128xf32>
    %get3A_387 = arith.constant 31 : index
    %get3A_388 = arith.constant 0 : index
    %get3A_389 = arith.constant 0 : index
    %get3A_390 = vector.load %arg6[%get3A_387, %get3A_388, %get3A_389] : memref<32x128x128xf32, #tpu.memory_space<vmem>>, vector<1x128x128xf32>
    %get3A_391 = vector.shape_cast %get3A_390 : vector<1x128x128xf32> to vector<128x128xf32>
    %dot_general3A_392 = arith.constant dense<0.000000e+00> : vector<256x128xf32>
    %dot_general3A_393 = tpu.matmul %slice3A_386, %get3A_391, %dot_general3A_392 {dimension_numbers = #tpu.dot_dimension_numbers<[1], [1], [0], [0], [0, 0, 1, 0], [], []>, transpose_lhs_hint = false} : vector<256x128xf32>, vector<128x128xf32>, vector<256x128xf32> -> vector<256x128xf32>
    %concatenate3A_394 = tpu.concatenate %dot_general3A_145, %dot_general3A_153, %dot_general3A_161, %dot_general3A_169, %dot_general3A_177, %dot_general3A_185, %dot_general3A_193, %dot_general3A_201, %dot_general3A_209, %dot_general3A_217, %dot_general3A_225, %dot_general3A_233, %dot_general3A_241, %dot_general3A_249, %dot_general3A_257, %dot_general3A_265, %dot_general3A_273, %dot_general3A_281, %dot_general3A_289, %dot_general3A_297, %dot_general3A_305, %dot_general3A_313, %dot_general3A_321, %dot_general3A_329, %dot_general3A_337, %dot_general3A_345, %dot_general3A_353, %dot_general3A_361, %dot_general3A_369, %dot_general3A_377, %dot_general3A_385, %dot_general3A_393 in 1 : vector<256x128xf32>, vector<256x128xf32>, vector<256x128xf32>, vector<256x128xf32>, vector<256x128xf32>, vector<256x128xf32>, vector<256x128xf32>, vector<256x128xf32>, vector<256x128xf32>, vector<256x128xf32>, vector<256x128xf32>, vector<256x128xf32>, vector<256x128xf32>, vector<256x128xf32>, vector<256x128xf32>, vector<256x128xf32>, vector<256x128xf32>, vector<256x128xf32>, vector<256x128xf32>, vector<256x128xf32>, vector<256x128xf32>, vector<256x128xf32>, vector<256x128xf32>, vector<256x128xf32>, vector<256x128xf32>, vector<256x128xf32>, vector<256x128xf32>, vector<256x128xf32>, vector<256x128xf32>, vector<256x128xf32>, vector<256x128xf32>, vector<256x128xf32> -> vector<256x4096xf32>
    %get3A_395 = arith.constant 0 : index
    %get3A_396 = arith.constant 0 : index
    %get3A_397 = vector.load %arg4[%get3A_395, %get3A_396] : memref<5x4096xf32, #tpu.memory_space<vmem>>, vector<1x4096xf32>
    %get3A_398 = vector.shape_cast %get3A_397 : vector<1x4096xf32> to vector<4096xf32>
    %broadcast_in_dim3A_399 = vector.shape_cast %get3A_398 : vector<4096xf32> to vector<1x4096xf32>
    %mul3A_400 = vector.broadcast %broadcast_in_dim3A_399 : vector<1x4096xf32> to vector<256x4096xf32>
    %mul3A_401 = arith.mulf %mul3A_400, %concatenate3A_394 : vector<256x4096xf32>
    %get3A_402 = arith.constant 0 : index
    %get3A_403 = arith.constant 0 : index
    %get3A_404 = vector.load %arg5[%get3A_402, %get3A_403] : memref<5x4096xf32, #tpu.memory_space<vmem>>, vector<1x4096xf32>
    %get3A_405 = vector.shape_cast %get3A_404 : vector<1x4096xf32> to vector<4096xf32>
    %broadcast_in_dim3A_406 = vector.shape_cast %get3A_405 : vector<4096xf32> to vector<1x4096xf32>
    %slice3A_407 = vector.extract_strided_slice %concatenate3A_394 {offsets = [0, 128], sizes = [256, 128], strides = [1, 1]} : vector<256x4096xf32> to vector<256x128xf32>
    %slice3A_408 = vector.extract_strided_slice %concatenate3A_394 {offsets = [0, 0], sizes = [256, 128], strides = [1, 1]} : vector<256x4096xf32> to vector<256x128xf32>
    %slice3A_409 = vector.extract_strided_slice %concatenate3A_394 {offsets = [0, 384], sizes = [256, 128], strides = [1, 1]} : vector<256x4096xf32> to vector<256x128xf32>
    %slice3A_410 = vector.extract_strided_slice %concatenate3A_394 {offsets = [0, 256], sizes = [256, 128], strides = [1, 1]} : vector<256x4096xf32> to vector<256x128xf32>
    %slice3A_411 = vector.extract_strided_slice %concatenate3A_394 {offsets = [0, 640], sizes = [256, 128], strides = [1, 1]} : vector<256x4096xf32> to vector<256x128xf32>
    %slice3A_412 = vector.extract_strided_slice %concatenate3A_394 {offsets = [0, 512], sizes = [256, 128], strides = [1, 1]} : vector<256x4096xf32> to vector<256x128xf32>
    %slice3A_413 = vector.extract_strided_slice %concatenate3A_394 {offsets = [0, 896], sizes = [256, 128], strides = [1, 1]} : vector<256x4096xf32> to vector<256x128xf32>
    %slice3A_414 = vector.extract_strided_slice %concatenate3A_394 {offsets = [0, 768], sizes = [256, 128], strides = [1, 1]} : vector<256x4096xf32> to vector<256x128xf32>
    %slice3A_415 = vector.extract_strided_slice %concatenate3A_394 {offsets = [0, 1152], sizes = [256, 128], strides = [1, 1]} : vector<256x4096xf32> to vector<256x128xf32>
    %slice3A_416 = vector.extract_strided_slice %concatenate3A_394 {offsets = [0, 1024], sizes = [256, 128], strides = [1, 1]} : vector<256x4096xf32> to vector<256x128xf32>
    %slice3A_417 = vector.extract_strided_slice %concatenate3A_394 {offsets = [0, 1408], sizes = [256, 128], strides = [1, 1]} : vector<256x4096xf32> to vector<256x128xf32>
    %slice3A_418 = vector.extract_strided_slice %concatenate3A_394 {offsets = [0, 1280], sizes = [256, 128], strides = [1, 1]} : vector<256x4096xf32> to vector<256x128xf32>
    %slice3A_419 = vector.extract_strided_slice %concatenate3A_394 {offsets = [0, 1664], sizes = [256, 128], strides = [1, 1]} : vector<256x4096xf32> to vector<256x128xf32>
    %slice3A_420 = vector.extract_strided_slice %concatenate3A_394 {offsets = [0, 1536], sizes = [256, 128], strides = [1, 1]} : vector<256x4096xf32> to vector<256x128xf32>
    %slice3A_421 = vector.extract_strided_slice %concatenate3A_394 {offsets = [0, 1920], sizes = [256, 128], strides = [1, 1]} : vector<256x4096xf32> to vector<256x128xf32>
    %slice3A_422 = vector.extract_strided_slice %concatenate3A_394 {offsets = [0, 1792], sizes = [256, 128], strides = [1, 1]} : vector<256x4096xf32> to vector<256x128xf32>
    %slice3A_423 = vector.extract_strided_slice %concatenate3A_394 {offsets = [0, 2176], sizes = [256, 128], strides = [1, 1]} : vector<256x4096xf32> to vector<256x128xf32>
    %slice3A_424 = vector.extract_strided_slice %concatenate3A_394 {offsets = [0, 2048], sizes = [256, 128], strides = [1, 1]} : vector<256x4096xf32> to vector<256x128xf32>
    %slice3A_425 = vector.extract_strided_slice %concatenate3A_394 {offsets = [0, 2432], sizes = [256, 128], strides = [1, 1]} : vector<256x4096xf32> to vector<256x128xf32>
    %slice3A_426 = vector.extract_strided_slice %concatenate3A_394 {offsets = [0, 2304], sizes = [256, 128], strides = [1, 1]} : vector<256x4096xf32> to vector<256x128xf32>
    %slice3A_427 = vector.extract_strided_slice %concatenate3A_394 {offsets = [0, 2688], sizes = [256, 128], strides = [1, 1]} : vector<256x4096xf32> to vector<256x128xf32>
    %slice3A_428 = vector.extract_strided_slice %concatenate3A_394 {offsets = [0, 2560], sizes = [256, 128], strides = [1, 1]} : vector<256x4096xf32> to vector<256x128xf32>
    %slice3A_429 = vector.extract_strided_slice %concatenate3A_394 {offsets = [0, 2944], sizes = [256, 128], strides = [1, 1]} : vector<256x4096xf32> to vector<256x128xf32>
    %slice3A_430 = vector.extract_strided_slice %concatenate3A_394 {offsets = [0, 2816], sizes = [256, 128], strides = [1, 1]} : vector<256x4096xf32> to vector<256x128xf32>
    %slice3A_431 = vector.extract_strided_slice %concatenate3A_394 {offsets = [0, 3200], sizes = [256, 128], strides = [1, 1]} : vector<256x4096xf32> to vector<256x128xf32>
    %slice3A_432 = vector.extract_strided_slice %concatenate3A_394 {offsets = [0, 3072], sizes = [256, 128], strides = [1, 1]} : vector<256x4096xf32> to vector<256x128xf32>
    %slice3A_433 = vector.extract_strided_slice %concatenate3A_394 {offsets = [0, 3456], sizes = [256, 128], strides = [1, 1]} : vector<256x4096xf32> to vector<256x128xf32>
    %slice3A_434 = vector.extract_strided_slice %concatenate3A_394 {offsets = [0, 3328], sizes = [256, 128], strides = [1, 1]} : vector<256x4096xf32> to vector<256x128xf32>
    %slice3A_435 = vector.extract_strided_slice %concatenate3A_394 {offsets = [0, 3712], sizes = [256, 128], strides = [1, 1]} : vector<256x4096xf32> to vector<256x128xf32>
    %slice3A_436 = vector.extract_strided_slice %concatenate3A_394 {offsets = [0, 3584], sizes = [256, 128], strides = [1, 1]} : vector<256x4096xf32> to vector<256x128xf32>
    %slice3A_437 = vector.extract_strided_slice %concatenate3A_394 {offsets = [0, 3968], sizes = [256, 128], strides = [1, 1]} : vector<256x4096xf32> to vector<256x128xf32>
    %slice3A_438 = vector.extract_strided_slice %concatenate3A_394 {offsets = [0, 3840], sizes = [256, 128], strides = [1, 1]} : vector<256x4096xf32> to vector<256x128xf32>
    %concatenate3A_439 = tpu.concatenate %slice3A_407, %slice3A_408, %slice3A_409, %slice3A_410, %slice3A_411, %slice3A_412, %slice3A_413, %slice3A_414, %slice3A_415, %slice3A_416, %slice3A_417, %slice3A_418, %slice3A_419, %slice3A_420, %slice3A_421, %slice3A_422, %slice3A_423, %slice3A_424, %slice3A_425, %slice3A_426, %slice3A_427, %slice3A_428, %slice3A_429, %slice3A_430, %slice3A_431, %slice3A_432, %slice3A_433, %slice3A_434, %slice3A_435, %slice3A_436, %slice3A_437, %slice3A_438 in 1 : vector<256x128xf32>, vector<256x128xf32>, vector<256x128xf32>, vector<256x128xf32>, vector<256x128xf32>, vector<256x128xf32>, vector<256x128xf32>, vector<256x128xf32>, vector<256x128xf32>, vector<256x128xf32>, vector<256x128xf32>, vector<256x128xf32>, vector<256x128xf32>, vector<256x128xf32>, vector<256x128xf32>, vector<256x128xf32>, vector<256x128xf32>, vector<256x128xf32>, vector<256x128xf32>, vector<256x128xf32>, vector<256x128xf32>, vector<256x128xf32>, vector<256x128xf32>, vector<256x128xf32>, vector<256x128xf32>, vector<256x128xf32>, vector<256x128xf32>, vector<256x128xf32>, vector<256x128xf32>, vector<256x128xf32>, vector<256x128xf32>, vector<256x128xf32> -> vector<256x4096xf32>
    %mul3A_440 = vector.broadcast %broadcast_in_dim3A_406 : vector<1x4096xf32> to vector<256x4096xf32>
    %mul3A_441 = arith.mulf %mul3A_440, %concatenate3A_439 : vector<256x4096xf32>
    %add3A_442 = arith.addf %mul3A_401, %mul3A_441 : vector<256x4096xf32>
    %get3A_443 = arith.constant 1 : index
    %get3A_444 = arith.constant 0 : index
    %get3A_445 = vector.load %arg4[%get3A_443, %get3A_444] : memref<5x4096xf32, #tpu.memory_space<vmem>>, vector<1x4096xf32>
    %get3A_446 = vector.shape_cast %get3A_445 : vector<1x4096xf32> to vector<4096xf32>
    %broadcast_in_dim3A_447 = vector.shape_cast %get3A_446 : vector<4096xf32> to vector<1x4096xf32>
    %mul3A_448 = vector.broadcast %broadcast_in_dim3A_447 : vector<1x4096xf32> to vector<256x4096xf32>
    %mul3A_449 = arith.mulf %mul3A_448, %add3A_442 : vector<256x4096xf32>
    %get3A_450 = arith.constant 1 : index
    %get3A_451 = arith.constant 0 : index
    %get3A_452 = vector.load %arg5[%get3A_450, %get3A_451] : memref<5x4096xf32, #tpu.memory_space<vmem>>, vector<1x4096xf32>
    %get3A_453 = vector.shape_cast %get3A_452 : vector<1x4096xf32> to vector<4096xf32>
    %broadcast_in_dim3A_454 = vector.shape_cast %get3A_453 : vector<4096xf32> to vector<1x4096xf32>
    %slice3A_455 = vector.extract_strided_slice %add3A_442 {offsets = [0, 256], sizes = [256, 256], strides = [1, 1]} : vector<256x4096xf32> to vector<256x256xf32>
    %slice3A_456 = vector.extract_strided_slice %add3A_442 {offsets = [0, 0], sizes = [256, 256], strides = [1, 1]} : vector<256x4096xf32> to vector<256x256xf32>
    %slice3A_457 = vector.extract_strided_slice %add3A_442 {offsets = [0, 768], sizes = [256, 256], strides = [1, 1]} : vector<256x4096xf32> to vector<256x256xf32>
    %slice3A_458 = vector.extract_strided_slice %add3A_442 {offsets = [0, 512], sizes = [256, 256], strides = [1, 1]} : vector<256x4096xf32> to vector<256x256xf32>
    %slice3A_459 = vector.extract_strided_slice %add3A_442 {offsets = [0, 1280], sizes = [256, 256], strides = [1, 1]} : vector<256x4096xf32> to vector<256x256xf32>
    %slice3A_460 = vector.extract_strided_slice %add3A_442 {offsets = [0, 1024], sizes = [256, 256], strides = [1, 1]} : vector<256x4096xf32> to vector<256x256xf32>
    %slice3A_461 = vector.extract_strided_slice %add3A_442 {offsets = [0, 1792], sizes = [256, 256], strides = [1, 1]} : vector<256x4096xf32> to vector<256x256xf32>
    %slice3A_462 = vector.extract_strided_slice %add3A_442 {offsets = [0, 1536], sizes = [256, 256], strides = [1, 1]} : vector<256x4096xf32> to vector<256x256xf32>
    %slice3A_463 = vector.extract_strided_slice %add3A_442 {offsets = [0, 2304], sizes = [256, 256], strides = [1, 1]} : vector<256x4096xf32> to vector<256x256xf32>
    %slice3A_464 = vector.extract_strided_slice %add3A_442 {offsets = [0, 2048], sizes = [256, 256], strides = [1, 1]} : vector<256x4096xf32> to vector<256x256xf32>
    %slice3A_465 = vector.extract_strided_slice %add3A_442 {offsets = [0, 2816], sizes = [256, 256], strides = [1, 1]} : vector<256x4096xf32> to vector<256x256xf32>
    %slice3A_466 = vector.extract_strided_slice %add3A_442 {offsets = [0, 2560], sizes = [256, 256], strides = [1, 1]} : vector<256x4096xf32> to vector<256x256xf32>
    %slice3A_467 = vector.extract_strided_slice %add3A_442 {offsets = [0, 3328], sizes = [256, 256], strides = [1, 1]} : vector<256x4096xf32> to vector<256x256xf32>
    %slice3A_468 = vector.extract_strided_slice %add3A_442 {offsets = [0, 3072], sizes = [256, 256], strides = [1, 1]} : vector<256x4096xf32> to vector<256x256xf32>
    %slice3A_469 = vector.extract_strided_slice %add3A_442 {offsets = [0, 3840], sizes = [256, 256], strides = [1, 1]} : vector<256x4096xf32> to vector<256x256xf32>
    %slice3A_470 = vector.extract_strided_slice %add3A_442 {offsets = [0, 3584], sizes = [256, 256], strides = [1, 1]} : vector<256x4096xf32> to vector<256x256xf32>
    %concatenate3A_471 = tpu.concatenate %slice3A_455, %slice3A_456, %slice3A_457, %slice3A_458, %slice3A_459, %slice3A_460, %slice3A_461, %slice3A_462, %slice3A_463, %slice3A_464, %slice3A_465, %slice3A_466, %slice3A_467, %slice3A_468, %slice3A_469, %slice3A_470 in 1 : vector<256x256xf32>, vector<256x256xf32>, vector<256x256xf32>, vector<256x256xf32>, vector<256x256xf32>, vector<256x256xf32>, vector<256x256xf32>, vector<256x256xf32>, vector<256x256xf32>, vector<256x256xf32>, vector<256x256xf32>, vector<256x256xf32>, vector<256x256xf32>, vector<256x256xf32>, vector<256x256xf32>, vector<256x256xf32> -> vector<256x4096xf32>
    %mul3A_472 = vector.broadcast %broadcast_in_dim3A_454 : vector<1x4096xf32> to vector<256x4096xf32>
    %mul3A_473 = arith.mulf %mul3A_472, %concatenate3A_471 : vector<256x4096xf32>
    %add3A_474 = arith.addf %mul3A_449, %mul3A_473 : vector<256x4096xf32>
    %get3A_475 = arith.constant 2 : index
    %get3A_476 = arith.constant 0 : index
    %get3A_477 = vector.load %arg4[%get3A_475, %get3A_476] : memref<5x4096xf32, #tpu.memory_space<vmem>>, vector<1x4096xf32>
    %get3A_478 = vector.shape_cast %get3A_477 : vector<1x4096xf32> to vector<4096xf32>
    %broadcast_in_dim3A_479 = vector.shape_cast %get3A_478 : vector<4096xf32> to vector<1x4096xf32>
    %mul3A_480 = vector.broadcast %broadcast_in_dim3A_479 : vector<1x4096xf32> to vector<256x4096xf32>
    %mul3A_481 = arith.mulf %mul3A_480, %add3A_474 : vector<256x4096xf32>
    %get3A_482 = arith.constant 2 : index
    %get3A_483 = arith.constant 0 : index
    %get3A_484 = vector.load %arg5[%get3A_482, %get3A_483] : memref<5x4096xf32, #tpu.memory_space<vmem>>, vector<1x4096xf32>
    %get3A_485 = vector.shape_cast %get3A_484 : vector<1x4096xf32> to vector<4096xf32>
    %broadcast_in_dim3A_486 = vector.shape_cast %get3A_485 : vector<4096xf32> to vector<1x4096xf32>
    %slice3A_487 = vector.extract_strided_slice %add3A_474 {offsets = [0, 512], sizes = [256, 512], strides = [1, 1]} : vector<256x4096xf32> to vector<256x512xf32>
    %slice3A_488 = vector.extract_strided_slice %add3A_474 {offsets = [0, 0], sizes = [256, 512], strides = [1, 1]} : vector<256x4096xf32> to vector<256x512xf32>
    %slice3A_489 = vector.extract_strided_slice %add3A_474 {offsets = [0, 1536], sizes = [256, 512], strides = [1, 1]} : vector<256x4096xf32> to vector<256x512xf32>
    %slice3A_490 = vector.extract_strided_slice %add3A_474 {offsets = [0, 1024], sizes = [256, 512], strides = [1, 1]} : vector<256x4096xf32> to vector<256x512xf32>
    %slice3A_491 = vector.extract_strided_slice %add3A_474 {offsets = [0, 2560], sizes = [256, 512], strides = [1, 1]} : vector<256x4096xf32> to vector<256x512xf32>
    %slice3A_492 = vector.extract_strided_slice %add3A_474 {offsets = [0, 2048], sizes = [256, 512], strides = [1, 1]} : vector<256x4096xf32> to vector<256x512xf32>
    %slice3A_493 = vector.extract_strided_slice %add3A_474 {offsets = [0, 3584], sizes = [256, 512], strides = [1, 1]} : vector<256x4096xf32> to vector<256x512xf32>
    %slice3A_494 = vector.extract_strided_slice %add3A_474 {offsets = [0, 3072], sizes = [256, 512], strides = [1, 1]} : vector<256x4096xf32> to vector<256x512xf32>
    %concatenate3A_495 = tpu.concatenate %slice3A_487, %slice3A_488, %slice3A_489, %slice3A_490, %slice3A_491, %slice3A_492, %slice3A_493, %slice3A_494 in 1 : vector<256x512xf32>, vector<256x512xf32>, vector<256x512xf32>, vector<256x512xf32>, vector<256x512xf32>, vector<256x512xf32>, vector<256x512xf32>, vector<256x512xf32> -> vector<256x4096xf32>
    %mul3A_496 = vector.broadcast %broadcast_in_dim3A_486 : vector<1x4096xf32> to vector<256x4096xf32>
    %mul3A_497 = arith.mulf %mul3A_496, %concatenate3A_495 : vector<256x4096xf32>
    %add3A_498 = arith.addf %mul3A_481, %mul3A_497 : vector<256x4096xf32>
    %get3A_499 = arith.constant 3 : index
    %get3A_500 = arith.constant 0 : index
    %get3A_501 = vector.load %arg4[%get3A_499, %get3A_500] : memref<5x4096xf32, #tpu.memory_space<vmem>>, vector<1x4096xf32>
    %get3A_502 = vector.shape_cast %get3A_501 : vector<1x4096xf32> to vector<4096xf32>
    %broadcast_in_dim3A_503 = vector.shape_cast %get3A_502 : vector<4096xf32> to vector<1x4096xf32>
    %mul3A_504 = vector.broadcast %broadcast_in_dim3A_503 : vector<1x4096xf32> to vector<256x4096xf32>
    %mul3A_505 = arith.mulf %mul3A_504, %add3A_498 : vector<256x4096xf32>
    %get3A_506 = arith.constant 3 : index
    %get3A_507 = arith.constant 0 : index
    %get3A_508 = vector.load %arg5[%get3A_506, %get3A_507] : memref<5x4096xf32, #tpu.memory_space<vmem>>, vector<1x4096xf32>
    %get3A_509 = vector.shape_cast %get3A_508 : vector<1x4096xf32> to vector<4096xf32>
    %broadcast_in_dim3A_510 = vector.shape_cast %get3A_509 : vector<4096xf32> to vector<1x4096xf32>
    %slice3A_511 = vector.extract_strided_slice %add3A_498 {offsets = [0, 1024], sizes = [256, 1024], strides = [1, 1]} : vector<256x4096xf32> to vector<256x1024xf32>
    %slice3A_512 = vector.extract_strided_slice %add3A_498 {offsets = [0, 0], sizes = [256, 1024], strides = [1, 1]} : vector<256x4096xf32> to vector<256x1024xf32>
    %slice3A_513 = vector.extract_strided_slice %add3A_498 {offsets = [0, 3072], sizes = [256, 1024], strides = [1, 1]} : vector<256x4096xf32> to vector<256x1024xf32>
    %slice3A_514 = vector.extract_strided_slice %add3A_498 {offsets = [0, 2048], sizes = [256, 1024], strides = [1, 1]} : vector<256x4096xf32> to vector<256x1024xf32>
    %concatenate3A_515 = tpu.concatenate %slice3A_511, %slice3A_512, %slice3A_513, %slice3A_514 in 1 : vector<256x1024xf32>, vector<256x1024xf32>, vector<256x1024xf32>, vector<256x1024xf32> -> vector<256x4096xf32>
    %mul3A_516 = vector.broadcast %broadcast_in_dim3A_510 : vector<1x4096xf32> to vector<256x4096xf32>
    %mul3A_517 = arith.mulf %mul3A_516, %concatenate3A_515 : vector<256x4096xf32>
    %add3A_518 = arith.addf %mul3A_505, %mul3A_517 : vector<256x4096xf32>
    %get3A_519 = arith.constant 4 : index
    %get3A_520 = arith.constant 0 : index
    %get3A_521 = vector.load %arg4[%get3A_519, %get3A_520] : memref<5x4096xf32, #tpu.memory_space<vmem>>, vector<1x4096xf32>
    %get3A_522 = vector.shape_cast %get3A_521 : vector<1x4096xf32> to vector<4096xf32>
    %broadcast_in_dim3A_523 = vector.shape_cast %get3A_522 : vector<4096xf32> to vector<1x4096xf32>
    %mul3A_524 = vector.broadcast %broadcast_in_dim3A_523 : vector<1x4096xf32> to vector<256x4096xf32>
    %mul3A_525 = arith.mulf %mul3A_524, %add3A_518 : vector<256x4096xf32>
    %get3A_526 = arith.constant 4 : index
    %get3A_527 = arith.constant 0 : index
    %get3A_528 = vector.load %arg5[%get3A_526, %get3A_527] : memref<5x4096xf32, #tpu.memory_space<vmem>>, vector<1x4096xf32>
    %get3A_529 = vector.shape_cast %get3A_528 : vector<1x4096xf32> to vector<4096xf32>
    %broadcast_in_dim3A_530 = vector.shape_cast %get3A_529 : vector<4096xf32> to vector<1x4096xf32>
    %slice3A_531 = vector.extract_strided_slice %add3A_518 {offsets = [0, 2048], sizes = [256, 2048], strides = [1, 1]} : vector<256x4096xf32> to vector<256x2048xf32>
    %slice3A_532 = vector.extract_strided_slice %add3A_518 {offsets = [0, 0], sizes = [256, 2048], strides = [1, 1]} : vector<256x4096xf32> to vector<256x2048xf32>
    %concatenate3A_533 = tpu.concatenate %slice3A_531, %slice3A_532 in 1 : vector<256x2048xf32>, vector<256x2048xf32> -> vector<256x4096xf32>
    %mul3A_534 = vector.broadcast %broadcast_in_dim3A_530 : vector<1x4096xf32> to vector<256x4096xf32>
    %mul3A_535 = arith.mulf %mul3A_534, %concatenate3A_533 : vector<256x4096xf32>
    %add3A_536 = arith.addf %mul3A_525, %mul3A_535 : vector<256x4096xf32>
    %swap3A = arith.constant 0 : index
    %swap3A_537 = arith.constant 0 : index
    %swap3A_538 = vector.load %arg7[%swap3A, %swap3A_537] : memref<256x4096xf32, #tpu.memory_space<vmem>>, vector<256x4096xf32>
    tpu.vector_store %arg7[%swap3A, %swap3A_537], %add3A_536 {strides = array<i32>} : memref<256x4096xf32, #tpu.memory_space<vmem>>, vector<256x4096xf32>,
    return
  }
  func.func @transform_0(%arg0: i32) -> (i32, i32) {
    %c0_i32 = arith.constant 0 : i32
    %c0_i32_0 = arith.constant 0 : i32
    return %arg0, %c0_i32 : i32, i32
  }
  func.func @transform_1(%arg0: i32) -> (i32, i32) {
    %c0_i32 = arith.constant 0 : i32
    %c0_i32_0 = arith.constant 0 : i32
    %c0_i32_1 = arith.constant 0 : i32
    return %c0_i32, %c0_i32_0 : i32, i32
  }
  func.func @transform_2(%arg0: i32) -> (i32, i32) {
    %c0_i32 = arith.constant 0 : i32
    %c0_i32_0 = arith.constant 0 : i32
    %c0_i32_1 = arith.constant 0 : i32
    return %c0_i32, %c0_i32_0 : i32, i32
  }
  func.func @transform_3(%arg0: i32) -> (i32, i32) {
    %c0_i32 = arith.constant 0 : i32
    %c0_i32_0 = arith.constant 0 : i32
    %c0_i32_1 = arith.constant 0 : i32
    return %c0_i32, %c0_i32_0 : i32, i32
  }
  func.func @transform_4(%arg0: i32) -> (i32, i32) {
    %c0_i32 = arith.constant 0 : i32
    %c0_i32_0 = arith.constant 0 : i32
    %c0_i32_1 = arith.constant 0 : i32
    return %c0_i32, %c0_i32_0 : i32, i32
  }
  func.func @transform_5(%arg0: i32) -> (i32, i32, i32) {
    %c0_i32 = arith.constant 0 : i32
    %c0_i32_0 = arith.constant 0 : i32
    %c0_i32_1 = arith.constant 0 : i32
    %c0_i32_2 = arith.constant 0 : i32
    return %c0_i32, %c0_i32_0, %c0_i32_1 : i32, i32, i32
  }
  func.func @transform_6(%arg0: i32) -> (i32, i32) {
    %c0_i32 = arith.constant 0 : i32
    %c0_i32_0 = arith.constant 0 : i32
    return %arg0, %c0_i32 : i32, i32
  }
}

</mosaic_0001>

<sc_bundles>
// kernel: gather_offload_async_start.1
scs
__scs_entry_jumppad:
0x0: {  	(pc) =	sbr.rel $0x88, $3  }
0x1: {  	(tag) =	ssettag $0x0;
	lr =	simm.s32 $0x1  }
0x2: {  	[smem:$0x3F9F] =	sst lr;
	_ =	strace $0xD0000000  }
0x3: {  	_ = 	snop  }
0x4: {  	_ = 	snop  }
0x5: {  	_ = 	snop  }
0x6: {  	_ = 	snop  }
0x7: {  	_ = 	snop  }
__scs_overlays_trampoline_lowered:
0x8: {  	[smem:$0x3FAE] =	sst s0  }
0x9: {  	[smem:$0x3FAF] =	sst s1  }
0xa: {  	[smem:$0x3FB0] =	sst s2  }
0xb: {  	[smem:$0x3FB1] =	sst s3  }
0xc: {  	[smem:$0x3FB2] =	sst s4  }
0xd: {  	[smem:$0x3FB3] =	sst s5  }
0xe: {  	[smem:$0x3FB4] =	sst s6  }
0xf: {  	[smem:$0x3FB5] =	sst s7  }
0x10: {  	[smem:$0x3FB6] =	sst s8  }
0x11: {  	[smem:$0x3FB7] =	sst s9;
	s0 =	simm.s32 @!p0 $0x0  }
0x12: {  	s1 =	sld [smem:$0x3F9D];
	s0 =	simm.s32 @p0 $0x1  }
0x13: {  	[smem:$0x3FB8] =	sst s0;
	s0 =	simm.s32 @!p1 $0x0  }
0x14: {  	s2 =	sld [smem:$0x3F9C];
	s0 =	simm.s32 @p1 $0x1  }
0x15: {  	[smem:$0x3FB9] =	sst s0;
	s0 =	simm.s32 @!p2 $0x0  }
0x16: {  	s3 =	sld [smem:$0x3FDB];
	s0 =	simm.s32 @p2 $0x1  }
0x17: {  	s4 =	simm.s32 $0x1BF5;
	[smem:$0x3FBB] =	sst s0  }
0x18: {  	s0 =	sld [smem:$0x3F9E];
	_ =	swait.ge [sflag:s4], $0x0  }
0x19: {  	s7 =	sld [smem:$0x3F9F]  }
0x1a: {  	s8 =	sadd.s32 $0xFFFFE003, lr  }
0x1b: {  	s9 =	sadd.s32 $0xFFFFFEF7, lr;
	s5 =	simm.s32 $0xFFFFFFFF;
	p2 =	slt.u32 s8, $0xFFFFF086  }
0x1c: {  	p1 =	slt.u32 s9, $0xF7A;
	s5 =	simm.s32 @!p2 $0x0  }
0x1d: {  	s5 =	simm.s32 @p1 $0x1;
	p0 =	seq.s32 s7, s2  }
0x1e: {  	s7 =	smul.u32 @!p0 $0xF7A, s2;
	p2 =	seq.s32 @!p0 s5, $0x0  }
0x1f: {  	s9 =	smul.u32 $0xF7A, s1;
	s8 =	simm.s32 @!p0 $0x1BF5;
	p2 =	por !p2, p0  }
0x20: {  	[sflag:s8] =	ssyncset.s32 @!p0 $0xFFFFF086;
	s6 =	sadd.s32 @!p0 s3, s7;
	s7 =	simm.s32 @!p0 $0x108  }
0x21: {  	s3 =	sadd.s32 s3, s9;
	s6 =	sadd.s32 @!p0 $0x88, s6;
	s7 =	simm.s32 @p2 $0x1082  }
0x22: {  	[simem:s7], [sflag:s8] =	dma.local @!p0 [hbm:s6], $0xF7A  }
0x23: {  	s9 =	sor.u32 $0xD0000000, s2;
	s6 =	simm.s32 $0x108;
	_ =	swait.ge @!p0 [sflag:s8], $0x0  }
0x24: {  	s3 =	sadd.s32 $0x88, s3;
	s6 =	simm.s32 @!p1 $0x1082;
	[sflag:s4] =	ssyncset.s32 $0xFFFFF086  }
0x25: {  	[simem:s6], [sflag:s4] =	dma.local [hbm:s3], $0xF7A  }
0x26: {  	[smem:$0x3F9F] =	sst s1;
	(tag) =	ssettag s2;
	_ =	strace s9  }
0x27: {  	s1 =	sld [smem:$0x3FAF]  }
0x28: {  	s2 =	sld [smem:$0x3FB0]  }
0x29: {  	s4 =	sld [smem:$0x3FB2]  }
0x2a: {  	p0 =	seq.s32 s5, $0x0;
	s5 =	sld [smem:$0x3FB3]  }
0x2b: {  	s6 =	sld [smem:$0x3FB4]  }
0x2c: {  	s7 =	sld [smem:$0x3FB5]  }
0x2d: {  	s3 =	simm.s32 $0x108;
	s8 =	sld [smem:$0x3FB6]  }
0x2e: {  	s3 =	simm.s32 @!p0 $0x1082;
	s9 =	sld [smem:$0x3FB7]  }
0x2f: {  	lr =	sadd.s32 s0, s3;
	s0 =	sld [smem:$0x3FAE]  }
0x30: {  	s3 =	sld [smem:$0x3FB1]  }
0x31: {  	[smem:$0x3FBA] =	sst s10  }
0x32: {  	s10 =	sld [smem:$0x3FB8];
	_ =	sdelay $0x3  }
0x33: {  	p0 =	seq.s32 s10, $0x1;
	s10 =	sld [smem:$0x3FBA];
	_ =	sdelay $0x3  }
0x34: {  	[smem:$0x3FBA] =	sst s10  }
0x35: {  	s10 =	sld [smem:$0x3FB9];
	_ =	sdelay $0x3  }
0x36: {  	p1 =	seq.s32 s10, $0x1;
	s10 =	sld [smem:$0x3FBA];
	_ =	sdelay $0x3  }
0x37: {  	[smem:$0x3FBA] =	sst s10  }
0x38: {  	s10 =	sld [smem:$0x3FBB]  }
0x39: {  	_ = 	snop;
	(pc) =	sbr.ind lr, $3  }
0x3a: {  	_ = 	snop  }
0x3b: {  	_ = 	snop  }
0x3c: {  	p2 =	seq.s32 s10, $0x1;
	s10 =	sld [smem:$0x3FBA]  }
0x3d: {  	_ =	shalt  }
0x3e: {  	_ =	shalt  }
0x3f: {  	_ =	shalt  }
0x40: {  	_ =	shalt  }
0x41: {  	_ =	shalt  }
0x42: {  	_ =	shalt  }
0x43: {  	_ =	shalt  }
0x44: {  	_ =	shalt  }
0x45: {  	_ =	shalt  }
0x46: {  	_ =	shalt  }
0x47: {  	_ =	shalt  }
0x48: {  	_ =	shalt  }
0x49: {  	_ =	shalt  }
0x4a: {  	_ =	shalt  }
0x4b: {  	_ =	shalt  }
0x4c: {  	_ =	shalt  }
0x4d: {  	_ =	shalt  }
0x4e: {  	_ =	shalt  }
0x4f: {  	_ =	shalt  }
0x50: {  	_ =	shalt  }
0x51: {  	_ =	shalt  }
0x52: {  	_ =	shalt  }
0x53: {  	_ =	shalt  }
0x54: {  	_ =	shalt  }
0x55: {  	_ =	shalt  }
0x56: {  	_ =	shalt  }
0x57: {  	_ =	shalt  }
0x58: {  	_ =	shalt  }
0x59: {  	_ =	shalt  }
0x5a: {  	_ =	shalt  }
0x5b: {  	_ =	shalt  }
0x5c: {  	_ =	shalt  }
0x5d: {  	_ =	shalt  }
0x5e: {  	_ =	shalt  }
0x5f: {  	_ =	shalt  }
0x60: {  	_ =	shalt  }
0x61: {  	_ =	shalt  }
0x62: {  	_ =	shalt  }
0x63: {  	_ =	shalt  }
0x64: {  	_ =	shalt  }
0x65: {  	_ =	shalt  }
0x66: {  	_ =	shalt  }
0x67: {  	_ =	shalt  }
0x68: {  	_ =	shalt  }
0x69: {  	_ =	shalt  }
0x6a: {  	_ =	shalt  }
0x6b: {  	_ =	shalt  }
0x6c: {  	_ =	shalt  }
0x6d: {  	_ =	shalt  }
0x6e: {  	_ =	shalt  }
0x6f: {  	_ =	shalt  }
0x70: {  	_ =	shalt  }
0x71: {  	_ =	shalt  }
0x72: {  	_ =	shalt  }
0x73: {  	_ =	shalt  }
0x74: {  	_ =	shalt  }
0x75: {  	_ =	shalt  }
0x76: {  	_ =	shalt  }
0x77: {  	_ =	shalt  }
0x78: {  	_ =	shalt  }
0x79: {  	_ =	shalt  }
0x7a: {  	_ =	shalt  }
0x7b: {  	_ =	shalt  }
0x7c: {  	_ =	shalt  }
0x7d: {  	_ =	shalt  }
0x7e: {  	_ =	shalt  }
0x7f: {  	_ =	shalt  }
0x80: {  	_ =	shalt  }
0x81: {  	_ =	shalt  }
0x82: {  	_ =	shalt  }
0x83: {  	_ =	shalt  }
0x84: {  	_ =	shalt  }
0x85: {  	_ =	shalt  }
0x86: {  	_ =	shalt  }
0x87: {  	_ =	shalt  }
.Lfunc_end0:
.L_simem_size_0:
called_computation.1_lowered:
.L_overlay_start_0:
0x88: {  	s2 =	sld [smem:$0x3FD9]  }
0x89: {  	s3 =	sld [smem:$0x3FFE];
	_ =	sdelay $0x1  }
0x8a: {  	s1 =	srdreg.scid  }
0x8b: {  	s0 =	sand.u32 $0x1, s1  }
0x8c: {  	s17 =	sshll.u32 s0, $0xA;
	s2 =	sadd.s32 s3, s2  }
0x8d: {  	s2 =	sadd.s32 s2, s17  }
0x8e: {  	[smem:$0x3FC6] =	sst s2  }
0x8f: {  	_ = 	snop  }
0x90: {  	s2 =	sld [smem:$0x3FC8];
	(tm) =	ssettm $0x1  }
0x91: {  	s18 =	sld [smem:$0x3FFB];
	_ =	sdelay $0x3  }
0x92: {  	_ =	strace s18  }
0x93: {  	s3 =	sld [smem:$0x3FFC];
	_ =	sdelay $0x3  }
0x94: {  	_ =	strace s3  }
0x95: {  	s3 =	sld [smem:$0x3FFD];
	_ =	sdelay $0x3  }
0x96: {  	_ =	strace s3  }
0x97: {  	_ =	strace $0x8FFFFFFF  }
0x98: {  	s19 =	sld [smem:$0x3FDB];
	_ =	sdelay $0x1  }
0x99: {  	s4 =	simm.s32 $_scs_section_size  }
0x9a: {  	s5 =	simm.s32 $_size__tile_overlayer_lowered;
	s6 =	simm.s32 $_tile_overlayer_lowered  }
0x9b: {  	s22 =	simm.s32 $0x1BFF;
	s21 =	sshll.u32 s6, $0x1;
	s3 =	sadd.s32 s4, s19  }
0x9c: {  	s7 =	simm.s32 $0x0;
	s20 =	sshll.u32 s5, $0x1;
	s5 =	sadd.s32 s21, s3  }
0x9d: {  	[timem:s7], [sflag:s22] =	dma.local [hbm:s5], s20  }
0x9e: {  	_ =	swait.ge [sflag:s22], s20  }
0x9f: {  	s4 =	ssub.s32 $0x0, s20;
	[sflag:s22] =	ssyncset.done $0x0  }
0xa0: {  	[sflag:s22] =	ssyncadd.s32 s4;
	_ =	sdelay $0x1  }
0xa1: {  	s23 =	simm.s32 $0x1B8B  }
0xa2: {  	_ =	swait.ge [sflag:s23], $0x1  }
0xa3: {  	[sflag:s23] =	ssyncset.done $0x0  }
0xa4: {  	s25 =	simm.s32 $0x1B8E;
	s24 =	sld [smem:$0x3FFE];
	[sflag:s23] =	ssyncadd.s32 $0xFFFFFFFF  }
0xa5: {  	s26 =	simm.s32 $execute0_lowered;
	[smem:$0x3FD2] =	sst s25  }
0xa6: {  	s5 =	sshll.u32 s26, $0x1;
	_ =	strace $0x80000049;
	[dreg:$0x1] =	wrdreg $0xFFFFFFFF  }
0xa7: {  	s28 =	simm.s32 $_size_execute0_lowered;
	s3 =	sadd.s32 s3, s5;
	[dreg:$0x0] =	wrdreg $0x0  }
0xa8: {  	s5 =	sshll.u32 s28, $0x1;
	[dreg:$0x2] =	wrdreg s3  }
0xa9: {  	[dreg:$0x3] =	wrdreg s5  }
0xaa: {  	[dreg:$0x4] =	wrdreg $0xC0  }
0xab: {  	_ =	task [dreg:s7], $0x5FFFF  }
0xac: {  	[dreg:$0x1] =	wrdreg $0xFFFFFFFF  }
0xad: {  	[dreg:$0x0] =	wrdreg $0x60  }
0xae: {  	[dreg:$0x2] =	wrdreg s2  }
0xaf: {  	[dreg:$0x3] =	wrdreg s24  }
0xb0: {  	[dreg:$0x4] =	wrdreg $0x9  }
0xb1: {  	_ =	task.clear_ibuf [dreg:s7], $0x5FFFF;
	_ =	strace $0x90000049  }
0xb2: {  	s29 =	simm.s32 $0x9;
	_ =	strace $0x8000004B  }
0xb3: {  	_ =	swait.ge [sflag:s29], $0x1  }
0xb4: {  	[sflag:s29] =	ssyncadd.s32 $0xFFFFFFFF  }
0xb5: {  	_ =	strace $0x9000004B  }
0xb6: {  	_ =	sfence  }
0xb7: {  	s30 =	sld [smem:$0x0];
	_ =	sdelay $0x2  }
0xb8: {  	s31 =	sshll.u32 s1, $0xD;
	s1 =	sshrl.u32 s1, $0x2  }
0xb9: {  	s3 =	sand.u32 $0x4000, s31;
	s1 =	sadd.s32 s1, s30  }
0xba: {  	s0 =	sor.u32 s3, s0;
	s1 =	sshll.u32 s1, $0x11  }
0xbb: {  	s0 =	sor.u32 s1, s0  }
0xbc: {  	s0 =	sadd.s32 $0x8F2B, s0  }
0xbd: {  	[sflag:s0] =	ssyncadd.remote.s32 $0x1  }
0xbe: {  	_ =	sfence.sel $0xFFFF  }
0xbf: {  	[dreg:$0x0] =	wrdreg $0xFFFFFFFF;
	(pc) =	sbr.abs _section_cstart, $3  }
0xc0: {  	[dreg:$0x1] =	wrdreg $0xFFFFFFFF  }
0xc1: {  	_ =	task.clear_ibuf [dreg:s7], $0x2FFFF;
	_ =	strace $0x9FFFFFFF  }
0xc2: {  	(tm) =	ssettm $0x7FFFFFFF  }
0xc3: {  	_ =	shalt  }
tec
execute0_lowered:
.L_overlay_start_1:
0x0: {  	(tag) =	ssettag $0x1  }
0x1: {  	s1 =	srdreg.scid;
	s2 =	rddreg [dreg:$0x0]  }
0x2: {  	s0 =	stileid.u32;
	s5 =	rddreg [dreg:$0x1];
	s6 =	simm.s32 $0x1  }
0x3: {  	s9 =	simm.s32 $0x1;
	s10 =	simm.s32 $0x3;
	s1 =	sshll.u32 s1, $0xB  }
0x4: {  	s13 =	simm.s32 $0x0;
	s3 =	sshll.u32 s0, $0xC;
	s4 =	sand.u32 $0x800, s1  }
0x5: {  	s12 =	simm.s32 $0x0;
	s1 =	rddreg [dreg:$0x2];
	s3 =	sor.u32 s3, s4  }
0x6: {  	_ =	strace $0x8000004A;
	s4 =	sadd.s32 $0x3F000, s5;
	s8 =	ssub.s32 $0x17000, s3  }
.Ltmp0:
0x7: {  	s5 =	sadd.s32 $0x41E00, s5;
	s7 =	sand.u32 $0xF800, s8;
	(pc) =	sbr.rel .LBB2_1-.Ltmp0, $4  }
0x8: {  	[sflag:s6] =	ssyncpa.u1 $0x0;
	s11 =	smov.u32 s3;
	p0 =	sne.s32 s7, $0x0  }
0x9: {  	s8 =	sshrl.u32 s8, $0x10;
	s7 =	simm.s32 $0x2;
	s9 =	simm.s32 @!p0 $0x0  }
0xa: {  	[sflag:s7] =	ssyncpa.u1 $0x0;
	p0 =	por $0x0, $0x0;
	s8 =	sadd.s32 s9, s8  }
0xb: {  	vm0 =	vmmov $0xffff;
	[sflag:s10] =	ssyncpa.u1 $0x0;
	s10 =	simm.s32 $0x0;
	s9 =	sadd.s32 $0x1, s8  }
.LBB2_4:
0xc: {  	vm1 =	veq.s32 v0, $0x80000000;
	v63 =	vand.u32 $0x1F, v0;
	v2 =	vand.u32 $0x1FFF, v2  }
0xd: {  	v0 =	vsel vm1, $0xFFFFFFFF, v63;
	v2 =	vsel vm1, $0xFFFFFFFF, v2  }
0xe: {  	v3 =	vshll.u32 v0, $0xD;
	v4 =	vshll.u32 v2, $0x3  }
0xf: {  	v0 =	vshll.u32 v0, $0x7;
	v3 =	vand.u32 $0xFFFF0000, v3;
	v4 =	vand.u32 $0xFFFFFC00, v4  }
0x10: {  	v0 =	vand.u32 $0x380, v0;
	v3 =	vadd.s32 v3, v4  }
0x11: {  	v2 =	vand.u32 $0x7F, v2;
	v0 =	vor.u32 v0, v3  }
0x12: {  	v0 =	vor.u32 v2, v0;
	_ =	sdelay $0x1  }
0x13: {  	(ifvalue) =	ssetifvalue $0x7FFFFFFF;
	s14 =	sadd.s32 $0x10, s14  }
0x14: {  	[tilespmem:s14], [sflag:$0x1] =	stream.indirect_vreg.gather [hbm4b:s2+s10], $0x1, v1, vm0, $0x4038;
	[tilespmem:$0x2000] =	vst v63  }
0x15: {  	(ifvalue) =	ssetifvalue $0x7FFFFFFF;
	s14 =	sadd.s32 $0x10, s14  }
0x16: {  	[tilespmem:s14], [sflag:$0x1] =	stream.indirect_vreg.gather [hbm4b:s2+s10], $0x1, v0, vm0, $0x4038;
	[tilespmem:$0x2000] =	vst v63  }
0x17: {  	_ =	swait.ge [sflag:s6], $0x800  }
0x18: {  	s30 =	sshrl.u32 s13, $0x3;
	[sflag:s6] =	ssyncset.done $0x0  }
0x19: {  	s31 =	sand.u32 $0x7, s13;
	s14 =	sadd.s32 s5, s30;
	[sflag:s6] =	ssyncadd.s32 $0xFFFFF800  }
0x1a: {  	[hbm4b:s14+s31] =	stream.linear.scatter [tilespmem:s15], [sflag:$0x3], $0x800, $0x38;
	[tilespmem:$0x2000] =	vst v63  }
.LBB2_5:
0x1b: {  	s15 =	sadd.s32 $0x10000, s11  }
0x1c: {  	p2 =	sgt.s32 s15, $0x16FFF  }
0x1d: {  	s15 =	smov.u32 @p2 s3;
	p2 =	sne.s32 s12, s9  }
.Ltmp1:
0x1e: {  	p1 =	slt.u32 s12, $0x2;
	(pc) =	sbr.rel @!p2 .LBB2_6-.Ltmp1, $4  }
0x1f: {  	s14 =	simm.s32 @!p1 $0x3  }
0x20: {  	s16 =	sadd.s32 $0x1, s12;
	_ =	swait.ge @!p1 [sflag:s14], $0x800  }
0x21: {  	s13 =	smov.u32 s11;
	p0 =	por !p0, !p0;
	[sflag:s14] =	ssyncset.done @!p1 $0x0  }
0x22: {  	s12 =	smov.u32 s16;
	s11 =	smov.u32 s15;
	[sflag:s14] =	ssyncadd.s32 @!p1 $0xFFFFF800  }
.LBB2_1:
0x23: {  	p1 =	sge.u32 s12, s8  }
0x24: {  	s14 =	sxor.u32 @!p1 $0xFFFFFFFF, s12  }
0x25: {  	s31 =	sadd.s32 $0xFFFFFFFF, s12;
	s15 =	sshrl.u32 @!p1 s11, $0x3;
	s14 =	sshll.u32 @!p1 s14, $0xB  }
0x26: {  	s16 =	sand.u32 @!p1 $0x7, s11;
	s15 =	sadd.s32 @!p1 s4, s15;
	s14 =	sand.u32 @!p1 $0x800, s14  }
0x27: {  	[tilespmem:s14], [sflag:$0x2] =	stream.linear.gather @!p1 [hbm4b:s15+s16], $0x800, $0x38;
	[tilespmem:$0x2000] =	vst v63  }
0x28: {  	p1 =	sge.u32 s31, s8  }
.Ltmp2:
0x29: {  	_ = 	snop;
	(pc) =	sbr.rel @p1 .LBB2_5-.Ltmp2, $1  }
0x2a: {  	_ =	sdelay $0x3  }
0x2b: {  	s14 =	simm.s32 $0x1  }
0x2c: {  	_ =	swait.ge [sflag:s7], $0x800;
	s14 =	simm.s32 @!p0 $0x0  }
0x2d: {  	[sflag:s7] =	ssyncset.done $0x0;
	s14 =	sshll.u32 s14, $0xB  }
0x2e: {  	[sflag:s7] =	ssyncadd.s32 $0xFFFFF800;
	(ifvalue) =	ssetifvalue $0x7FFFFFFF;
	v0 =	vld.msk [tilespmem:s14+$0x0 ss:$0x1], $0xffff;
	_ =	sdelay $0x3  }
0x2f: {  	s15 =	sadd.s32 $0x10, s14  }
0x30: {  	v2 =	vld.msk [tilespmem:s15+$0x0 ss:$0x1], $0xffff;
	v1 =	vshrl.u32 v0, $0x5  }
0x31: {  	vm1 =	veq.s32 v0, $0x80000000;
	v0 =	vand.u32 $0x1F, v0;
	v1 =	vand.u32 $0x1FFF, v1  }
0x32: {  	v0 =	vsel vm1, $0xFFFFFFFF, v0;
	v1 =	vsel vm1, $0xFFFFFFFF, v1  }
0x33: {  	v3 =	vshll.u32 v0, $0xD;
	v4 =	vshll.u32 v1, $0x3  }
0x34: {  	v0 =	vshll.u32 v0, $0x7;
	v3 =	vand.u32 $0xFFFF0000, v3;
	v4 =	vand.u32 $0xFFFFFC00, v4  }
0x35: {  	vm1 =	veq.s32 v2, $0x80000000;
	v0 =	vand.u32 $0x380, v0;
	v3 =	vadd.s32 v3, v4  }
0x36: {  	v1 =	vand.u32 $0x7F, v1;
	v0 =	vor.u32 v0, v3;
	v3 =	vshrl.u32 v2, $0x5  }
0x37: {  	s17 =	sadd.s32 $0x10, s15;
	v2 =	vand.u32 $0x1F, v2;
	v1 =	vor.u32 v1, v0;
	v3 =	vand.u32 $0x1FFF, v3  }
0x38: {  	v0 =	vld.msk [tilespmem:s17+$0x0 ss:$0x1], $0xffff;
	v2 =	vsel vm1, $0xFFFFFFFF, v2;
	v3 =	vsel vm1, $0xFFFFFFFF, v3  }
0x39: {  	v63 =	vshll.u32 v2, $0xD;
	v5 =	vshll.u32 v3, $0x3  }
0x3a: {  	s31 =	sshll.u32 s12, $0xB;
	v2 =	vshll.u32 v2, $0x7;
	v4 =	vand.u32 $0xFFFF0000, v63;
	v5 =	vand.u32 $0xFFFFFC00, v5  }
0x3b: {  	s14 =	sor.u32 $0x1000, s14;
	s15 =	sand.u32 $0x800, s31;
	(ifvalue) =	ssetifvalue $0x7FFFFFFF;
	v2 =	vand.u32 $0x380, v2;
	v4 =	vadd.s32 v4, v5  }
0x3c: {  	[tilespmem:s14], [sflag:$0x1] =	stream.indirect_vreg.gather [hbm4b:s2+s10], $0x1, v1, vm0, $0x4038;
	v1 =	vand.u32 $0x7F, v3;
	v3 =	vor.u32 v2, v4;
	[tilespmem:$0x2000] =	vst v63  }
0x3d: {  	s16 =	simm.s32 $0x20;
	s15 =	sor.u32 $0x1000, s15;
	s17 =	sadd.s32 $0x10, s17;
	v2 =	vshrl.u32 v0, $0x5;
	v1 =	vor.u32 v1, v3  }
.LBB2_3:
0x3e: {  	s16 =	sadd.s32 $0x10, s16;
	vm1 =	veq.s32 v0, $0x80000000;
	v3 =	vand.u32 $0x1F, v0;
	v0 =	vld.msk [tilespmem:s17+$0x0 ss:$0x1], $0xffff;
	v2 =	vand.u32 $0x1FFF, v2  }
0x3f: {  	p1 =	slt.u32 s16, $0x7F0;
	v3 =	vsel vm1, $0xFFFFFFFF, v3;
	v2 =	vsel vm1, $0xFFFFFFFF, v2  }
.Ltmp3:
0x40: {  	v4 =	vshll.u32 v3, $0xD;
	v5 =	vshll.u32 v2, $0x3;
	(pc) =	sbr.rel @p1 .LBB2_3-.Ltmp3, $4  }
0x41: {  	s14 =	sadd.s32 $0x10, s14;
	v3 =	vshll.u32 v3, $0x7;
	v4 =	vand.u32 $0xFFFF0000, v4;
	v5 =	vand.u32 $0xFFFFFC00, v5;
	(ifvalue) =	ssetifvalue $0x7FFFFFFF  }
0x42: {  	v3 =	vand.u32 $0x380, v3;
	v4 =	vadd.s32 v4, v5;
	[tilespmem:s14], [sflag:$0x1] =	stream.indirect_vreg.gather [hbm4b:s2+s10], $0x1, v1, vm0, $0x4038;
	[tilespmem:$0x2000] =	vst v63  }
0x43: {  	v1 =	vand.u32 $0x7F, v2;
	v3 =	vor.u32 v3, v4  }
0x44: {  	s17 =	sadd.s32 $0x10, s17;
	v2 =	vshrl.u32 v0, $0x5;
	v1 =	vor.u32 v1, v3  }
.Ltmp4:
0x45: {  	_ = 	snop;
	(pc) =	sbr.rel .LBB2_4-.Ltmp4, $1  }
0x46: {  	_ =	sdelay $0x3  }
.LBB2_6:
0x47: {  	_ =	sfence.sel $0x180000  }
0x48: {  	s2 =	simm.s32 $0x2;
	[bflag:$0x0] =	sbarrier.arrive $0xFFFF  }
0x49: {  	s30 =	simm.s32 $0x3;
	[sflag:s2] =	ssyncpa.u1 $0x1  }
0x4a: {  	s31 =	simm.s32 $0x1;
	[sflag:s30] =	ssyncpa.u1 $0x1  }
0x4b: {  	[sflag:s31] =	ssyncpa.u1 $0x1  }
0x4c: {  	p0 =	sne.s32 s0, $0x0;
	_ =	strace $0x9000004A  }
0x4d: {  	s0 =	sadd.s32 @!p0 $0x100000, s1;
	[bflag:$0x2] =	sbarrier.arrive $0xFFFF  }
0x4e: {  	[sflag:s0] =	ssyncadd.tile.s32 @!p0 $0x1;
	_ =	shalt  }
.Lfunc_end2:
_tile_overlayer_lowered:
.L_overlay_start_2:
0x4f: {  	(tag) =	ssettag $0x2  }
0x50: {  	s0 =	rddreg [dreg:$0x0];
	s2 =	stileid.u32  }
0x51: {  	s1 =	rddreg [dreg:$0x1];
	p0 =	sne.s32 s2, $0x0  }
0x52: {  	s3 =	rddreg [dreg:$0x2];
	[bflag:$0x3] =	sbarrier.arrive $0xFFFF;
	s2 =	simm.s32 @!p0 $0x1C01  }
0x53: {  	[timem:s3], [sflag:s2] =	dma.local @!p0 [hbm:s0], s1  }
0x54: {  	s0 =	simm.s32 @!p0 $0x1  }
0x55: {  	_ =	swait.ge @!p0 [sflag:s0], s1  }
0x56: {  	s1 =	ssub.s32 @!p0 $0x0, s1;
	[sflag:s0] =	ssyncset.done @!p0 $0x0  }
0x57: {  	[sflag:s0] =	ssyncadd.s32 @!p0 s1  }
0x58: {  	[bflag:$0x3] =	sbarrier.arrive $0xFFFF  }
0x59: {  	_ =	shalt  }

// kernel: gather_offload_async_start
scs
__scs_entry_jumppad:
0x0: {  	(pc) =	sbr.rel $0x88, $3  }
0x1: {  	(tag) =	ssettag $0x0;
	lr =	simm.s32 $0x1  }
0x2: {  	[smem:$0x3F9F] =	sst lr;
	_ =	strace $0xD0000000  }
0x3: {  	_ = 	snop  }
0x4: {  	_ = 	snop  }
0x5: {  	_ = 	snop  }
0x6: {  	_ = 	snop  }
0x7: {  	_ = 	snop  }
__scs_overlays_trampoline_lowered:
0x8: {  	[smem:$0x3FAE] =	sst s0  }
0x9: {  	[smem:$0x3FAF] =	sst s1  }
0xa: {  	[smem:$0x3FB0] =	sst s2  }
0xb: {  	[smem:$0x3FB1] =	sst s3  }
0xc: {  	[smem:$0x3FB2] =	sst s4  }
0xd: {  	[smem:$0x3FB3] =	sst s5  }
0xe: {  	[smem:$0x3FB4] =	sst s6  }
0xf: {  	[smem:$0x3FB5] =	sst s7  }
0x10: {  	[smem:$0x3FB6] =	sst s8  }
0x11: {  	[smem:$0x3FB7] =	sst s9;
	s0 =	simm.s32 @!p0 $0x0  }
0x12: {  	s1 =	sld [smem:$0x3F9D];
	s0 =	simm.s32 @p0 $0x1  }
0x13: {  	[smem:$0x3FB8] =	sst s0;
	s0 =	simm.s32 @!p1 $0x0  }
0x14: {  	s2 =	sld [smem:$0x3F9C];
	s0 =	simm.s32 @p1 $0x1  }
0x15: {  	[smem:$0x3FB9] =	sst s0;
	s0 =	simm.s32 @!p2 $0x0  }
0x16: {  	s3 =	sld [smem:$0x3FDB];
	s0 =	simm.s32 @p2 $0x1  }
0x17: {  	s4 =	simm.s32 $0x1BF5;
	[smem:$0x3FBB] =	sst s0  }
0x18: {  	s0 =	sld [smem:$0x3F9E];
	_ =	swait.ge [sflag:s4], $0x0  }
0x19: {  	s7 =	sld [smem:$0x3F9F]  }
0x1a: {  	s8 =	sadd.s32 $0xFFFFE003, lr  }
0x1b: {  	s9 =	sadd.s32 $0xFFFFFEF7, lr;
	s5 =	simm.s32 $0xFFFFFFFF;
	p2 =	slt.u32 s8, $0xFFFFF086  }
0x1c: {  	p1 =	slt.u32 s9, $0xF7A;
	s5 =	simm.s32 @!p2 $0x0  }
0x1d: {  	s5 =	simm.s32 @p1 $0x1;
	p0 =	seq.s32 s7, s2  }
0x1e: {  	s7 =	smul.u32 @!p0 $0xF7A, s2;
	p2 =	seq.s32 @!p0 s5, $0x0  }
0x1f: {  	s9 =	smul.u32 $0xF7A, s1;
	s8 =	simm.s32 @!p0 $0x1BF5;
	p2 =	por !p2, p0  }
0x20: {  	[sflag:s8] =	ssyncset.s32 @!p0 $0xFFFFF086;
	s6 =	sadd.s32 @!p0 s3, s7;
	s7 =	simm.s32 @!p0 $0x108  }
0x21: {  	s3 =	sadd.s32 s3, s9;
	s6 =	sadd.s32 @!p0 $0x88, s6;
	s7 =	simm.s32 @p2 $0x1082  }
0x22: {  	[simem:s7], [sflag:s8] =	dma.local @!p0 [hbm:s6], $0xF7A  }
0x23: {  	s9 =	sor.u32 $0xD0000000, s2;
	s6 =	simm.s32 $0x108;
	_ =	swait.ge @!p0 [sflag:s8], $0x0  }
0x24: {  	s3 =	sadd.s32 $0x88, s3;
	s6 =	simm.s32 @!p1 $0x1082;
	[sflag:s4] =	ssyncset.s32 $0xFFFFF086  }
0x25: {  	[simem:s6], [sflag:s4] =	dma.local [hbm:s3], $0xF7A  }
0x26: {  	[smem:$0x3F9F] =	sst s1;
	(tag) =	ssettag s2;
	_ =	strace s9  }
0x27: {  	s1 =	sld [smem:$0x3FAF]  }
0x28: {  	s2 =	sld [smem:$0x3FB0]  }
0x29: {  	s4 =	sld [smem:$0x3FB2]  }
0x2a: {  	p0 =	seq.s32 s5, $0x0;
	s5 =	sld [smem:$0x3FB3]  }
0x2b: {  	s6 =	sld [smem:$0x3FB4]  }
0x2c: {  	s7 =	sld [smem:$0x3FB5]  }
0x2d: {  	s3 =	simm.s32 $0x108;
	s8 =	sld [smem:$0x3FB6]  }
0x2e: {  	s3 =	simm.s32 @!p0 $0x1082;
	s9 =	sld [smem:$0x3FB7]  }
0x2f: {  	lr =	sadd.s32 s0, s3;
	s0 =	sld [smem:$0x3FAE]  }
0x30: {  	s3 =	sld [smem:$0x3FB1]  }
0x31: {  	[smem:$0x3FBA] =	sst s10  }
0x32: {  	s10 =	sld [smem:$0x3FB8];
	_ =	sdelay $0x3  }
0x33: {  	p0 =	seq.s32 s10, $0x1;
	s10 =	sld [smem:$0x3FBA];
	_ =	sdelay $0x3  }
0x34: {  	[smem:$0x3FBA] =	sst s10  }
0x35: {  	s10 =	sld [smem:$0x3FB9];
	_ =	sdelay $0x3  }
0x36: {  	p1 =	seq.s32 s10, $0x1;
	s10 =	sld [smem:$0x3FBA];
	_ =	sdelay $0x3  }
0x37: {  	[smem:$0x3FBA] =	sst s10  }
0x38: {  	s10 =	sld [smem:$0x3FBB]  }
0x39: {  	_ = 	snop;
	(pc) =	sbr.ind lr, $3  }
0x3a: {  	_ = 	snop  }
0x3b: {  	_ = 	snop  }
0x3c: {  	p2 =	seq.s32 s10, $0x1;
	s10 =	sld [smem:$0x3FBA]  }
0x3d: {  	_ =	shalt  }
0x3e: {  	_ =	shalt  }
0x3f: {  	_ =	shalt  }
0x40: {  	_ =	shalt  }
0x41: {  	_ =	shalt  }
0x42: {  	_ =	shalt  }
0x43: {  	_ =	shalt  }
0x44: {  	_ =	shalt  }
0x45: {  	_ =	shalt  }
0x46: {  	_ =	shalt  }
0x47: {  	_ =	shalt  }
0x48: {  	_ =	shalt  }
0x49: {  	_ =	shalt  }
0x4a: {  	_ =	shalt  }
0x4b: {  	_ =	shalt  }
0x4c: {  	_ =	shalt  }
0x4d: {  	_ =	shalt  }
0x4e: {  	_ =	shalt  }
0x4f: {  	_ =	shalt  }
0x50: {  	_ =	shalt  }
0x51: {  	_ =	shalt  }
0x52: {  	_ =	shalt  }
0x53: {  	_ =	shalt  }
0x54: {  	_ =	shalt  }
0x55: {  	_ =	shalt  }
0x56: {  	_ =	shalt  }
0x57: {  	_ =	shalt  }
0x58: {  	_ =	shalt  }
0x59: {  	_ =	shalt  }
0x5a: {  	_ =	shalt  }
0x5b: {  	_ =	shalt  }
0x5c: {  	_ =	shalt  }
0x5d: {  	_ =	shalt  }
0x5e: {  	_ =	shalt  }
0x5f: {  	_ =	shalt  }
0x60: {  	_ =	shalt  }
0x61: {  	_ =	shalt  }
0x62: {  	_ =	shalt  }
0x63: {  	_ =	shalt  }
0x64: {  	_ =	shalt  }
0x65: {  	_ =	shalt  }
0x66: {  	_ =	shalt  }
0x67: {  	_ =	shalt  }
0x68: {  	_ =	shalt  }
0x69: {  	_ =	shalt  }
0x6a: {  	_ =	shalt  }
0x6b: {  	_ =	shalt  }
0x6c: {  	_ =	shalt  }
0x6d: {  	_ =	shalt  }
0x6e: {  	_ =	shalt  }
0x6f: {  	_ =	shalt  }
0x70: {  	_ =	shalt  }
0x71: {  	_ =	shalt  }
0x72: {  	_ =	shalt  }
0x73: {  	_ =	shalt  }
0x74: {  	_ =	shalt  }
0x75: {  	_ =	shalt  }
0x76: {  	_ =	shalt  }
0x77: {  	_ =	shalt  }
0x78: {  	_ =	shalt  }
0x79: {  	_ =	shalt  }
0x7a: {  	_ =	shalt  }
0x7b: {  	_ =	shalt  }
0x7c: {  	_ =	shalt  }
0x7d: {  	_ =	shalt  }
0x7e: {  	_ =	shalt  }
0x7f: {  	_ =	shalt  }
0x80: {  	_ =	shalt  }
0x81: {  	_ =	shalt  }
0x82: {  	_ =	shalt  }
0x83: {  	_ =	shalt  }
0x84: {  	_ =	shalt  }
0x85: {  	_ =	shalt  }
0x86: {  	_ =	shalt  }
0x87: {  	_ =	shalt  }
.Lfunc_end0:
.L_simem_size_0:
called_computation_lowered:
.L_overlay_start_0:
0x88: {  	s2 =	sld [smem:$0x3FD9]  }
0x89: {  	s3 =	sld [smem:$0x3FFE];
	_ =	sdelay $0x1  }
0x8a: {  	s1 =	srdreg.scid  }
0x8b: {  	s0 =	sand.u32 $0x1, s1  }
0x8c: {  	s17 =	sshll.u32 s0, $0xA;
	s2 =	sadd.s32 s3, s2  }
0x8d: {  	s2 =	sadd.s32 s2, s17  }
0x8e: {  	[smem:$0x3FC6] =	sst s2  }
0x8f: {  	_ = 	snop  }
0x90: {  	s2 =	sld [smem:$0x3FC8];
	(tm) =	ssettm $0x1  }
0x91: {  	s18 =	sld [smem:$0x3FFB];
	_ =	sdelay $0x3  }
0x92: {  	_ =	strace s18  }
0x93: {  	s3 =	sld [smem:$0x3FFC];
	_ =	sdelay $0x3  }
0x94: {  	_ =	strace s3  }
0x95: {  	s3 =	sld [smem:$0x3FFD];
	_ =	sdelay $0x3  }
0x96: {  	_ =	strace s3  }
0x97: {  	_ =	strace $0x8FFFFFFF  }
0x98: {  	s19 =	sld [smem:$0x3FDB];
	_ =	sdelay $0x1  }
0x99: {  	s4 =	simm.s32 $_scs_section_size  }
0x9a: {  	s5 =	simm.s32 $_size__tile_overlayer_lowered;
	s6 =	simm.s32 $_tile_overlayer_lowered  }
0x9b: {  	s22 =	simm.s32 $0x1BFF;
	s21 =	sshll.u32 s6, $0x1;
	s3 =	sadd.s32 s4, s19  }
0x9c: {  	s7 =	simm.s32 $0x0;
	s20 =	sshll.u32 s5, $0x1;
	s5 =	sadd.s32 s21, s3  }
0x9d: {  	[timem:s7], [sflag:s22] =	dma.local [hbm:s5], s20  }
0x9e: {  	_ =	swait.ge [sflag:s22], s20  }
0x9f: {  	s4 =	ssub.s32 $0x0, s20;
	[sflag:s22] =	ssyncset.done $0x0  }
0xa0: {  	[sflag:s22] =	ssyncadd.s32 s4;
	_ =	sdelay $0x1  }
0xa1: {  	s23 =	simm.s32 $0x1B8B  }
0xa2: {  	_ =	swait.ge [sflag:s23], $0x1  }
0xa3: {  	[sflag:s23] =	ssyncset.done $0x0  }
0xa4: {  	s25 =	simm.s32 $0x1B8E;
	s24 =	sld [smem:$0x3FFE];
	[sflag:s23] =	ssyncadd.s32 $0xFFFFFFFF  }
0xa5: {  	s26 =	simm.s32 $execute0_lowered;
	[smem:$0x3FD2] =	sst s25  }
0xa6: {  	s5 =	sshll.u32 s26, $0x1;
	_ =	strace $0x80000046;
	[dreg:$0x1] =	wrdreg $0xFFFFFFFF  }
0xa7: {  	s28 =	simm.s32 $_size_execute0_lowered;
	s3 =	sadd.s32 s3, s5;
	[dreg:$0x0] =	wrdreg $0x0  }
0xa8: {  	s5 =	sshll.u32 s28, $0x1;
	[dreg:$0x2] =	wrdreg s3  }
0xa9: {  	[dreg:$0x3] =	wrdreg s5  }
0xaa: {  	[dreg:$0x4] =	wrdreg $0xC0  }
0xab: {  	_ =	task [dreg:s7], $0x5FFFF  }
0xac: {  	[dreg:$0x1] =	wrdreg $0xFFFFFFFF  }
0xad: {  	[dreg:$0x0] =	wrdreg $0x60  }
0xae: {  	[dreg:$0x2] =	wrdreg s2  }
0xaf: {  	[dreg:$0x3] =	wrdreg s24  }
0xb0: {  	[dreg:$0x4] =	wrdreg $0x9  }
0xb1: {  	_ =	task.clear_ibuf [dreg:s7], $0x5FFFF;
	_ =	strace $0x90000046  }
0xb2: {  	s29 =	simm.s32 $0x9;
	_ =	strace $0x80000048  }
0xb3: {  	_ =	swait.ge [sflag:s29], $0x1  }
0xb4: {  	[sflag:s29] =	ssyncadd.s32 $0xFFFFFFFF  }
0xb5: {  	_ =	strace $0x90000048  }
0xb6: {  	_ =	sfence  }
0xb7: {  	s30 =	sld [smem:$0x0];
	_ =	sdelay $0x2  }
0xb8: {  	s31 =	sshll.u32 s1, $0xD;
	s1 =	sshrl.u32 s1, $0x2  }
0xb9: {  	s3 =	sand.u32 $0x4000, s31;
	s1 =	sadd.s32 s1, s30  }
0xba: {  	s0 =	sor.u32 s3, s0;
	s1 =	sshll.u32 s1, $0x11  }
0xbb: {  	s0 =	sor.u32 s1, s0  }
0xbc: {  	s0 =	sadd.s32 $0x8F2B, s0  }
0xbd: {  	[sflag:s0] =	ssyncadd.remote.s32 $0x1  }
0xbe: {  	_ =	sfence.sel $0xFFFF  }
0xbf: {  	[dreg:$0x0] =	wrdreg $0xFFFFFFFF;
	(pc) =	sbr.abs _section_cstart, $3  }
0xc0: {  	[dreg:$0x1] =	wrdreg $0xFFFFFFFF  }
0xc1: {  	_ =	task.clear_ibuf [dreg:s7], $0x2FFFF;
	_ =	strace $0x9FFFFFFF  }
0xc2: {  	(tm) =	ssettm $0x7FFFFFFF  }
0xc3: {  	_ =	shalt  }
tec
execute0_lowered:
.L_overlay_start_1:
0x0: {  	(tag) =	ssettag $0x1  }
0x1: {  	s1 =	srdreg.scid;
	s2 =	rddreg [dreg:$0x0]  }
0x2: {  	s0 =	stileid.u32;
	s5 =	rddreg [dreg:$0x1];
	s6 =	simm.s32 $0x1  }
0x3: {  	s9 =	simm.s32 $0x1;
	s10 =	simm.s32 $0x3;
	s1 =	sshll.u32 s1, $0xB  }
0x4: {  	s13 =	simm.s32 $0x0;
	s3 =	sshll.u32 s0, $0xC;
	s4 =	sand.u32 $0x800, s1  }
0x5: {  	s12 =	simm.s32 $0x0;
	s1 =	rddreg [dreg:$0x2];
	s3 =	sor.u32 s3, s4  }
0x6: {  	_ =	strace $0x80000047;
	s4 =	sadd.s32 $0xDE00, s5;
	s8 =	ssub.s32 $0x17000, s3  }
.Ltmp0:
0x7: {  	s5 =	sadd.s32 $0x10C00, s5;
	s7 =	sand.u32 $0xF800, s8;
	(pc) =	sbr.rel .LBB2_1-.Ltmp0, $4  }
0x8: {  	[sflag:s6] =	ssyncpa.u1 $0x0;
	s11 =	smov.u32 s3;
	p0 =	sne.s32 s7, $0x0  }
0x9: {  	s8 =	sshrl.u32 s8, $0x10;
	s7 =	simm.s32 $0x2;
	s9 =	simm.s32 @!p0 $0x0  }
0xa: {  	[sflag:s7] =	ssyncpa.u1 $0x0;
	p0 =	por $0x0, $0x0;
	s8 =	sadd.s32 s9, s8  }
0xb: {  	vm0 =	vmmov $0xffff;
	[sflag:s10] =	ssyncpa.u1 $0x0;
	s10 =	simm.s32 $0x0;
	s9 =	sadd.s32 $0x1, s8  }
.LBB2_4:
0xc: {  	vm1 =	veq.s32 v0, $0x80000000;
	v63 =	vand.u32 $0x1F, v0;
	v2 =	vand.u32 $0x1FFF, v2  }
0xd: {  	v0 =	vsel vm1, $0xFFFFFFFF, v63;
	v2 =	vsel vm1, $0xFFFFFFFF, v2  }
0xe: {  	v3 =	vshll.u32 v0, $0xD;
	v4 =	vshll.u32 v2, $0x3  }
0xf: {  	v0 =	vshll.u32 v0, $0x7;
	v3 =	vand.u32 $0xFFFF0000, v3;
	v4 =	vand.u32 $0xFFFFFC00, v4  }
0x10: {  	v0 =	vand.u32 $0x380, v0;
	v3 =	vadd.s32 v3, v4  }
0x11: {  	v2 =	vand.u32 $0x7F, v2;
	v0 =	vor.u32 v0, v3  }
0x12: {  	v0 =	vor.u32 v2, v0;
	_ =	sdelay $0x1  }
0x13: {  	(ifvalue) =	ssetifvalue $0x7FFFFFFF;
	s14 =	sadd.s32 $0x10, s14  }
0x14: {  	[tilespmem:s14], [sflag:$0x1] =	stream.indirect_vreg.gather [hbm4b:s2+s10], $0x1, v1, vm0, $0x4038;
	[tilespmem:$0x2000] =	vst v63  }
0x15: {  	(ifvalue) =	ssetifvalue $0x7FFFFFFF;
	s14 =	sadd.s32 $0x10, s14  }
0x16: {  	[tilespmem:s14], [sflag:$0x1] =	stream.indirect_vreg.gather [hbm4b:s2+s10], $0x1, v0, vm0, $0x4038;
	[tilespmem:$0x2000] =	vst v63  }
0x17: {  	_ =	swait.ge [sflag:s6], $0x800  }
0x18: {  	s30 =	sshrl.u32 s13, $0x3;
	[sflag:s6] =	ssyncset.done $0x0  }
0x19: {  	s31 =	sand.u32 $0x7, s13;
	s14 =	sadd.s32 s5, s30;
	[sflag:s6] =	ssyncadd.s32 $0xFFFFF800  }
0x1a: {  	[hbm4b:s14+s31] =	stream.linear.scatter [tilespmem:s15], [sflag:$0x3], $0x800, $0x38;
	[tilespmem:$0x2000] =	vst v63  }
.LBB2_5:
0x1b: {  	s15 =	sadd.s32 $0x10000, s11  }
0x1c: {  	p2 =	sgt.s32 s15, $0x16FFF  }
0x1d: {  	s15 =	smov.u32 @p2 s3;
	p2 =	sne.s32 s12, s9  }
.Ltmp1:
0x1e: {  	p1 =	slt.u32 s12, $0x2;
	(pc) =	sbr.rel @!p2 .LBB2_6-.Ltmp1, $4  }
0x1f: {  	s14 =	simm.s32 @!p1 $0x3  }
0x20: {  	s16 =	sadd.s32 $0x1, s12;
	_ =	swait.ge @!p1 [sflag:s14], $0x800  }
0x21: {  	s13 =	smov.u32 s11;
	p0 =	por !p0, !p0;
	[sflag:s14] =	ssyncset.done @!p1 $0x0  }
0x22: {  	s12 =	smov.u32 s16;
	s11 =	smov.u32 s15;
	[sflag:s14] =	ssyncadd.s32 @!p1 $0xFFFFF800  }
.LBB2_1:
0x23: {  	p1 =	sge.u32 s12, s8  }
0x24: {  	s14 =	sxor.u32 @!p1 $0xFFFFFFFF, s12  }
0x25: {  	s31 =	sadd.s32 $0xFFFFFFFF, s12;
	s15 =	sshrl.u32 @!p1 s11, $0x3;
	s14 =	sshll.u32 @!p1 s14, $0xB  }
0x26: {  	s16 =	sand.u32 @!p1 $0x7, s11;
	s15 =	sadd.s32 @!p1 s4, s15;
	s14 =	sand.u32 @!p1 $0x800, s14  }
0x27: {  	[tilespmem:s14], [sflag:$0x2] =	stream.linear.gather @!p1 [hbm4b:s15+s16], $0x800, $0x38;
	[tilespmem:$0x2000] =	vst v63  }
0x28: {  	p1 =	sge.u32 s31, s8  }
.Ltmp2:
0x29: {  	_ = 	snop;
	(pc) =	sbr.rel @p1 .LBB2_5-.Ltmp2, $1  }
0x2a: {  	_ =	sdelay $0x3  }
0x2b: {  	s14 =	simm.s32 $0x1  }
0x2c: {  	_ =	swait.ge [sflag:s7], $0x800;
	s14 =	simm.s32 @!p0 $0x0  }
0x2d: {  	[sflag:s7] =	ssyncset.done $0x0;
	s14 =	sshll.u32 s14, $0xB  }
0x2e: {  	[sflag:s7] =	ssyncadd.s32 $0xFFFFF800;
	(ifvalue) =	ssetifvalue $0x7FFFFFFF;
	v0 =	vld.msk [tilespmem:s14+$0x0 ss:$0x1], $0xffff;
	_ =	sdelay $0x3  }
0x2f: {  	s15 =	sadd.s32 $0x10, s14  }
0x30: {  	v2 =	vld.msk [tilespmem:s15+$0x0 ss:$0x1], $0xffff;
	v1 =	vshrl.u32 v0, $0x5  }
0x31: {  	vm1 =	veq.s32 v0, $0x80000000;
	v0 =	vand.u32 $0x1F, v0;
	v1 =	vand.u32 $0x1FFF, v1  }
0x32: {  	v0 =	vsel vm1, $0xFFFFFFFF, v0;
	v1 =	vsel vm1, $0xFFFFFFFF, v1  }
0x33: {  	v3 =	vshll.u32 v0, $0xD;
	v4 =	vshll.u32 v1, $0x3  }
0x34: {  	v0 =	vshll.u32 v0, $0x7;
	v3 =	vand.u32 $0xFFFF0000, v3;
	v4 =	vand.u32 $0xFFFFFC00, v4  }
0x35: {  	vm1 =	veq.s32 v2, $0x80000000;
	v0 =	vand.u32 $0x380, v0;
	v3 =	vadd.s32 v3, v4  }
0x36: {  	v1 =	vand.u32 $0x7F, v1;
	v0 =	vor.u32 v0, v3;
	v3 =	vshrl.u32 v2, $0x5  }
0x37: {  	s17 =	sadd.s32 $0x10, s15;
	v2 =	vand.u32 $0x1F, v2;
	v1 =	vor.u32 v1, v0;
	v3 =	vand.u32 $0x1FFF, v3  }
0x38: {  	v0 =	vld.msk [tilespmem:s17+$0x0 ss:$0x1], $0xffff;
	v2 =	vsel vm1, $0xFFFFFFFF, v2;
	v3 =	vsel vm1, $0xFFFFFFFF, v3  }
0x39: {  	v63 =	vshll.u32 v2, $0xD;
	v5 =	vshll.u32 v3, $0x3  }
0x3a: {  	s31 =	sshll.u32 s12, $0xB;
	v2 =	vshll.u32 v2, $0x7;
	v4 =	vand.u32 $0xFFFF0000, v63;
	v5 =	vand.u32 $0xFFFFFC00, v5  }
0x3b: {  	s14 =	sor.u32 $0x1000, s14;
	s15 =	sand.u32 $0x800, s31;
	(ifvalue) =	ssetifvalue $0x7FFFFFFF;
	v2 =	vand.u32 $0x380, v2;
	v4 =	vadd.s32 v4, v5  }
0x3c: {  	[tilespmem:s14], [sflag:$0x1] =	stream.indirect_vreg.gather [hbm4b:s2+s10], $0x1, v1, vm0, $0x4038;
	v1 =	vand.u32 $0x7F, v3;
	v3 =	vor.u32 v2, v4;
	[tilespmem:$0x2000] =	vst v63  }
0x3d: {  	s16 =	simm.s32 $0x20;
	s15 =	sor.u32 $0x1000, s15;
	s17 =	sadd.s32 $0x10, s17;
	v2 =	vshrl.u32 v0, $0x5;
	v1 =	vor.u32 v1, v3  }
.LBB2_3:
0x3e: {  	s16 =	sadd.s32 $0x10, s16;
	vm1 =	veq.s32 v0, $0x80000000;
	v3 =	vand.u32 $0x1F, v0;
	v0 =	vld.msk [tilespmem:s17+$0x0 ss:$0x1], $0xffff;
	v2 =	vand.u32 $0x1FFF, v2  }
0x3f: {  	p1 =	slt.u32 s16, $0x7F0;
	v3 =	vsel vm1, $0xFFFFFFFF, v3;
	v2 =	vsel vm1, $0xFFFFFFFF, v2  }
.Ltmp3:
0x40: {  	v4 =	vshll.u32 v3, $0xD;
	v5 =	vshll.u32 v2, $0x3;
	(pc) =	sbr.rel @p1 .LBB2_3-.Ltmp3, $4  }
0x41: {  	s14 =	sadd.s32 $0x10, s14;
	v3 =	vshll.u32 v3, $0x7;
	v4 =	vand.u32 $0xFFFF0000, v4;
	v5 =	vand.u32 $0xFFFFFC00, v5;
	(ifvalue) =	ssetifvalue $0x7FFFFFFF  }
0x42: {  	v3 =	vand.u32 $0x380, v3;
	v4 =	vadd.s32 v4, v5;
	[tilespmem:s14], [sflag:$0x1] =	stream.indirect_vreg.gather [hbm4b:s2+s10], $0x1, v1, vm0, $0x4038;
	[tilespmem:$0x2000] =	vst v63  }
0x43: {  	v1 =	vand.u32 $0x7F, v2;
	v3 =	vor.u32 v3, v4  }
0x44: {  	s17 =	sadd.s32 $0x10, s17;
	v2 =	vshrl.u32 v0, $0x5;
	v1 =	vor.u32 v1, v3  }
.Ltmp4:
0x45: {  	_ = 	snop;
	(pc) =	sbr.rel .LBB2_4-.Ltmp4, $1  }
0x46: {  	_ =	sdelay $0x3  }
.LBB2_6:
0x47: {  	_ =	sfence.sel $0x180000  }
0x48: {  	s2 =	simm.s32 $0x2;
	[bflag:$0x0] =	sbarrier.arrive $0xFFFF  }
0x49: {  	s30 =	simm.s32 $0x3;
	[sflag:s2] =	ssyncpa.u1 $0x1  }
0x4a: {  	s31 =	simm.s32 $0x1;
	[sflag:s30] =	ssyncpa.u1 $0x1  }
0x4b: {  	[sflag:s31] =	ssyncpa.u1 $0x1  }
0x4c: {  	p0 =	sne.s32 s0, $0x0;
	_ =	strace $0x90000047  }
0x4d: {  	s0 =	sadd.s32 @!p0 $0x100000, s1;
	[bflag:$0x2] =	sbarrier.arrive $0xFFFF  }
0x4e: {  	[sflag:s0] =	ssyncadd.tile.s32 @!p0 $0x1;
	_ =	shalt  }
.Lfunc_end2:
_tile_overlayer_lowered:
.L_overlay_start_2:
0x4f: {  	(tag) =	ssettag $0x2  }
0x50: {  	s0 =	rddreg [dreg:$0x0];
	s2 =	stileid.u32  }
0x51: {  	s1 =	rddreg [dreg:$0x1];
	p0 =	sne.s32 s2, $0x0  }
0x52: {  	s3 =	rddreg [dreg:$0x2];
	[bflag:$0x3] =	sbarrier.arrive $0xFFFF;
	s2 =	simm.s32 @!p0 $0x1C01  }
0x53: {  	[timem:s3], [sflag:s2] =	dma.local @!p0 [hbm:s0], s1  }
0x54: {  	s0 =	simm.s32 @!p0 $0x1  }
0x55: {  	_ =	swait.ge @!p0 [sflag:s0], s1  }
0x56: {  	s1 =	ssub.s32 @!p0 $0x0, s1;
	[sflag:s0] =	ssyncset.done @!p0 $0x0  }
0x57: {  	[sflag:s0] =	ssyncadd.s32 @!p0 s1  }
0x58: {  	[bflag:$0x3] =	sbarrier.arrive $0xFFFF  }
0x59: {  	_ =	shalt  }

</sc_bundles>
